<compile_context>
chip_gen: v7x
topology: tpu7x:2x2x1
jax: 0.10.2.dev20260603
libtpu: 0.0.44.dev20260713+nightly
codegen_flags: <defaults>
</compile_context>

<pallas_src>
import functools

import jax
import jax.numpy as jnp
from jax import lax
from jax.experimental import pallas as pl
from jax.experimental.pallas import tpu as pltpu
from jax.experimental.pallas import tpu_sc as plsc


def _combine_tables(depth_embed, width_embed):
    VD, D = depth_embed.shape
    VW, _ = width_embed.shape

    WP = -(-VW // 8) * 8

    def body(d_ref, w_ref, o_ref):
        d = d_ref[...]
        w = w_ref[...]
        if WP > VW:
            w = jnp.concatenate([w, w[: WP - VW]], axis=0)
        o_ref[...] = d[:, None, :] + w[None, :, :]

    out3 = pl.pallas_call(
        body,
        out_shape=jax.ShapeDtypeStruct((VD, WP, D), jnp.float32),
    )(depth_embed, width_embed)
    return out3.reshape(VD * WP, D)


@functools.partial(jax.jit, static_argnums=(3, 4, 5))
def _sc_gather(d_idx, w_idx, comb, d_model, vd_max, vw_max):
    seq = d_idx.shape[0]
    info = plsc.get_sparse_core_info()
    NC, NS = info.num_cores, info.num_subcores
    NW = NC * NS
    bpw = seq // NW
    C = 32
    NB = 3
    PRIME = 2
    nch = bpw // C
    per = max(C // 16, 1)
    STR = -(-(vw_max + 1) // 8) * 8

    mesh = plsc.VectorSubcoreMesh(core_axis_name="c", subcore_axis_name="s")

    @functools.partial(
        pl.kernel,
        mesh=mesh,
        out_type=jax.ShapeDtypeStruct((seq, 1, d_model), jnp.float32),
        scratch_types=[
            pltpu.VMEM((bpw,), jnp.int32),
            pltpu.VMEM((bpw,), jnp.int32),
            pltpu.VMEM((nch, C), jnp.int32),
        ] + [pltpu.VMEM((C, d_model), jnp.float32)] * 3
          + [pltpu.SemaphoreType.DMA] * 8,
    )
    def k(d_hbm, w_hbm, comb_hbm, out_hbm, dv, wv, cidx, *rest):
        bufs = rest[:3]
        gsems = rest[3:6]
        ssems = rest[6:9]
        isems = rest[9:11]
        wid = lax.axis_index("s") * NC + lax.axis_index("c")
        base = wid * bpw
        dcp = pltpu.async_copy(d_hbm.at[pl.ds(base, bpw)], dv, isems[0])
        wcp = pltpu.async_copy(w_hbm.at[pl.ds(base, bpw)], wv, isems[1])
        dcp.wait()
        wcp.wait()

        def make_idx(j):
            for kk in range(j * per, (j + 1) * per):
                d = dv[pl.ds(kk * 16, 16)]
                w = wv[pl.ds(kk * 16, 16)]
                d = jnp.minimum(jnp.maximum(d, 0), vd_max)
                w = jnp.minimum(jnp.maximum(w, 0), vw_max)
                cidx[kk // per, pl.ds((kk % per) * 16, 16)] = d * STR + w

        def gather(j, b):
            return pltpu.async_copy(comb_hbm.at[cidx.at[j]], bufs[b], gsems[b])

        def scatter(j, b):
            return pltpu.async_copy(
                bufs[b], out_hbm.at[pl.ds(base + j * C, C), 0], ssems[b])

        gd = [None] * NB
        sd = [None] * NB
        for j in range(min(PRIME, nch)):
            make_idx(j)
            gd[j % NB] = gather(j, j % NB)
        for j in range(min(PRIME, nch), nch):
            make_idx(j)
        for j in range(nch):
            b = j % NB
            gd[b].wait()
            sd[b] = scatter(j, b)
            jn = j + PRIME
            if jn < nch:
                bn = jn % NB
                if sd[bn] is not None:
                    sd[bn].wait()
                gd[bn] = gather(jn, bn)
        for b in range(NB):
            if sd[b] is not None:
                sd[b].wait()

    return k(d_idx, w_idx, comb)


def kernel(depth_indices, width_indices, depth_embed, width_embed):
    seq = depth_indices.shape[0]
    D = depth_embed.shape[1]
    comb = _combine_tables(depth_embed, width_embed)
    d = depth_indices.reshape(seq).astype(jnp.int32)
    w = width_indices.reshape(seq).astype(jnp.int32)
    return _sc_gather(d, w, comb, D,
                      depth_embed.shape[0] - 1, width_embed.shape[0] - 1)

# --- scband reference (transcript-rebuilt; emitter-appended) ---
"""Pipeline reference for scband-tree-pos-encode-10651518894823 (READ-ONLY COPY).

The authoritative reference and input builder live on the scoring server;
editing this copy changes nothing except your own understanding.
"""

import jax, jax.numpy as jnp
import numpy as np

D_MODEL = 1024
MAX_DEPTH = 50
MAX_WIDTH = 20
SEQ_LEN = 8192


def setup_inputs(seed: int = 0) -> dict:
    key = jax.random.key(seed)
    k1, k2, k3, k4 = jax.random.split(key, 4)
    depth_indices = jax.random.randint(k1, (SEQ_LEN, 1), 0, MAX_DEPTH, dtype=jnp.int64 if jax.config.jax_enable_x64 else jnp.int32)
    width_indices = jax.random.randint(k2, (SEQ_LEN, 1), 0, MAX_WIDTH, dtype=jnp.int64 if jax.config.jax_enable_x64 else jnp.int32)
    depth_embed = jax.random.uniform(k3, (MAX_DEPTH, D_MODEL), dtype=jnp.float32, minval=-0.05, maxval=0.05)
    width_embed = jax.random.uniform(k4, (MAX_WIDTH, D_MODEL), dtype=jnp.float32, minval=-0.05, maxval=0.05)
    return {
        "depth_indices": depth_indices,
        "width_indices": width_indices,
        "depth_embed": depth_embed,
        "width_embed": width_embed,
    }


def reference(depth_indices, width_indices, depth_embed, width_embed):
    d_idx = jnp.clip(depth_indices, 0, depth_embed.shape[0] - 1)
    w_idx = jnp.clip(width_indices, 0, width_embed.shape[0] - 1)
    d = jnp.take(depth_embed, d_idx, axis=0)  # [Seq_Len, 1, d_model]
    w = jnp.take(width_embed, w_idx, axis=0)  # [Seq_Len, 1, d_model]
    return d + w

if __name__ == "__main__":
    import jax
    _d = setup_inputs()
    print(jax.jit(kernel)(*tuple(_d.values())))

</pallas_src>

<mosaic_0001>
#map = affine_map<(d0, d1) -> (0)>
#map1 = affine_map<(d0, d1) -> (0, 0)>
#map2 = affine_map<(d0, d1) -> (0, 0, 0)>
module attributes {stable_mosaic.version = 14 : i64} {
  func.func @k(%arg0: i32, %arg1: i32, %arg2: memref<8192xi32, #tpu.memory_space<hbm>>, %arg3: memref<8192xi32, #tpu.memory_space<hbm>>, %arg4: memref<1200x1024xf32, #tpu.memory_space<hbm>>, %arg5: memref<8192x1x1024xf32, #tpu.memory_space<hbm>>, %arg6: memref<256xi32, #tpu.memory_space<vmem>>, %arg7: memref<256xi32, #tpu.memory_space<vmem>>, %arg8: memref<8x32xi32, #tpu.memory_space<vmem>>, %arg9: memref<32x1024xf32, #tpu.memory_space<vmem>>, %arg10: memref<32x1024xf32, #tpu.memory_space<vmem>>, %arg11: memref<32x1024xf32, #tpu.memory_space<vmem>>, %arg12: memref<!tpu.dma_semaphore, #tpu.memory_space<semaphore_mem>>, %arg13: memref<!tpu.dma_semaphore, #tpu.memory_space<semaphore_mem>>, %arg14: memref<!tpu.dma_semaphore, #tpu.memory_space<semaphore_mem>>, %arg15: memref<!tpu.dma_semaphore, #tpu.memory_space<semaphore_mem>>, %arg16: memref<!tpu.dma_semaphore, #tpu.memory_space<semaphore_mem>>, %arg17: memref<!tpu.dma_semaphore, #tpu.memory_space<semaphore_mem>>, %arg18: memref<!tpu.dma_semaphore, #tpu.memory_space<semaphore_mem>>, %arg19: memref<!tpu.dma_semaphore, #tpu.memory_space<semaphore_mem>>) attributes {dimension_semantics = [#tpu.dimension_semantics<core_parallel>, #tpu.dimension_semantics<subcore_parallel>], iteration_bounds = array<i64: 2, 16>, scalar_prefetch = 0 : i64, scratch_operands = 14 : i64, tpu.core_type = #tpu.core_type<sc_vector_subcore>, window_params = [{transform_indices = #map}, {transform_indices = #map}, {transform_indices = #map1}, {transform_indices = #map2}]} {
    %mul3A = arith.constant 2 : i32
    %mul3A_0 = arith.muli %arg1, %mul3A : i32
    %add3A = arith.addi %mul3A_0, %arg0 : i32
    %mul3A_1 = arith.constant 256 : i32
    %mul3A_2 = arith.muli %add3A, %mul3A_1 : i32
    %dma_start3A = tpu.memref_slice %arg2[%mul3A_2] : memref<8192xi32, #tpu.memory_space<hbm>> -> memref<256xi32, #tpu.memory_space<hbm>>
    %dma_start3A_3 = tpu.memref_slice %arg2[%mul3A_2] : memref<8192xi32, #tpu.memory_space<hbm>> -> memref<256xi32, #tpu.memory_space<hbm>>
    tpu.enqueue_dma source(%dma_start3A_3 : memref<256xi32, #tpu.memory_space<hbm>>) target(%arg6 : memref<256xi32, #tpu.memory_space<vmem>>) target_semaphore(%arg18 : memref<!tpu.dma_semaphore, #tpu.memory_space<semaphore_mem>>)
    %dma_start3A_4 = tpu.memref_slice %arg3[%mul3A_2] : memref<8192xi32, #tpu.memory_space<hbm>> -> memref<256xi32, #tpu.memory_space<hbm>>
    %dma_start3A_5 = tpu.memref_slice %arg3[%mul3A_2] : memref<8192xi32, #tpu.memory_space<hbm>> -> memref<256xi32, #tpu.memory_space<hbm>>
    tpu.enqueue_dma source(%dma_start3A_5 : memref<256xi32, #tpu.memory_space<hbm>>) target(%arg7 : memref<256xi32, #tpu.memory_space<vmem>>) target_semaphore(%arg19 : memref<!tpu.dma_semaphore, #tpu.memory_space<semaphore_mem>>)
    %dma_wait3A = tpu.memref_slice %arg2[%mul3A_2] : memref<8192xi32, #tpu.memory_space<hbm>> -> memref<256xi32, #tpu.memory_space<hbm>>
    %dma_wait3A_6 = tpu.memref_slice %arg2[%mul3A_2] : memref<8192xi32, #tpu.memory_space<hbm>> -> memref<256xi32, #tpu.memory_space<hbm>>
    tpu.wait_dma2 semaphore(%arg18 : memref<!tpu.dma_semaphore, #tpu.memory_space<semaphore_mem>>) src(%dma_wait3A_6 : memref<256xi32, #tpu.memory_space<hbm>>) dst(%arg6 : memref<256xi32, #tpu.memory_space<vmem>>)
    %dma_wait3A_7 = tpu.memref_slice %arg3[%mul3A_2] : memref<8192xi32, #tpu.memory_space<hbm>> -> memref<256xi32, #tpu.memory_space<hbm>>
    %dma_wait3A_8 = tpu.memref_slice %arg3[%mul3A_2] : memref<8192xi32, #tpu.memory_space<hbm>> -> memref<256xi32, #tpu.memory_space<hbm>>
    tpu.wait_dma2 semaphore(%arg19 : memref<!tpu.dma_semaphore, #tpu.memory_space<semaphore_mem>>) src(%dma_wait3A_8 : memref<256xi32, #tpu.memory_space<hbm>>) dst(%arg7 : memref<256xi32, #tpu.memory_space<vmem>>)
    %get3A = arith.constant 0 : index
    %get3A_9 = tpu.vector_load %arg6[%get3A] {strides = array<i32>} : memref<256xi32, #tpu.memory_space<vmem>>, vector<16xi32>,
    %get3A_10 = vector.shape_cast %get3A_9 : vector<16xi32> to vector<16xi32>
    %get3A_11 = arith.constant 0 : index
    %get3A_12 = tpu.vector_load %arg7[%get3A_11] {strides = array<i32>} : memref<256xi32, #tpu.memory_space<vmem>>, vector<16xi32>,
    %get3A_13 = vector.shape_cast %get3A_12 : vector<16xi32> to vector<16xi32>
    %max3A = arith.constant 0 : i32
    %max3A_14 = vector.broadcast %max3A : i32 to vector<16xi32>
    %max3A_15 = arith.maxsi %get3A_10, %max3A_14 : vector<16xi32>
    %min3A = arith.constant 49 : i32
    %min3A_16 = vector.broadcast %min3A : i32 to vector<16xi32>
    %min3A_17 = arith.minsi %max3A_15, %min3A_16 : vector<16xi32>
    %max3A_18 = arith.constant 0 : i32
    %max3A_19 = vector.broadcast %max3A_18 : i32 to vector<16xi32>
    %max3A_20 = arith.maxsi %get3A_13, %max3A_19 : vector<16xi32>
    %min3A_21 = arith.constant 19 : i32
    %min3A_22 = vector.broadcast %min3A_21 : i32 to vector<16xi32>
    %min3A_23 = arith.minsi %max3A_20, %min3A_22 : vector<16xi32>
    %mul3A_24 = arith.constant 24 : i32
    %mul3A_25 = vector.broadcast %mul3A_24 : i32 to vector<16xi32>
    %mul3A_26 = arith.muli %min3A_17, %mul3A_25 : vector<16xi32>
    %add3A_27 = arith.addi %mul3A_26, %min3A_23 : vector<16xi32>
    %swap3A = arith.constant 0 : i32
    %swap3A_28 = arith.index_cast %swap3A : i32 to index
    %swap3A_29 = arith.constant 0 : index
    %swap3A_30 = tpu.vector_load %arg8[%swap3A_28, %swap3A_29] {strides = array<i32>} : memref<8x32xi32, #tpu.memory_space<vmem>>, vector<1x16xi32>,
    %swap3A_31 = vector.shape_cast %swap3A_30 : vector<1x16xi32> to vector<16xi32>
    %swap3A_32 = vector.shape_cast %add3A_27 : vector<16xi32> to vector<1x16xi32>
    tpu.vector_store %arg8[%swap3A_28, %swap3A_29], %swap3A_32 {strides = array<i32>} : memref<8x32xi32, #tpu.memory_space<vmem>>, vector<1x16xi32>,
    %get3A_33 = arith.constant 16 : index
    %get3A_34 = tpu.vector_load %arg6[%get3A_33] {strides = array<i32>} : memref<256xi32, #tpu.memory_space<vmem>>, vector<16xi32>,
    %get3A_35 = vector.shape_cast %get3A_34 : vector<16xi32> to vector<16xi32>
    %get3A_36 = arith.constant 16 : index
    %get3A_37 = tpu.vector_load %arg7[%get3A_36] {strides = array<i32>} : memref<256xi32, #tpu.memory_space<vmem>>, vector<16xi32>,
    %get3A_38 = vector.shape_cast %get3A_37 : vector<16xi32> to vector<16xi32>
    %max3A_39 = arith.constant 0 : i32
    %max3A_40 = vector.broadcast %max3A_39 : i32 to vector<16xi32>
    %max3A_41 = arith.maxsi %get3A_35, %max3A_40 : vector<16xi32>
    %min3A_42 = arith.constant 49 : i32
    %min3A_43 = vector.broadcast %min3A_42 : i32 to vector<16xi32>
    %min3A_44 = arith.minsi %max3A_41, %min3A_43 : vector<16xi32>
    %max3A_45 = arith.constant 0 : i32
    %max3A_46 = vector.broadcast %max3A_45 : i32 to vector<16xi32>
    %max3A_47 = arith.maxsi %get3A_38, %max3A_46 : vector<16xi32>
    %min3A_48 = arith.constant 19 : i32
    %min3A_49 = vector.broadcast %min3A_48 : i32 to vector<16xi32>
    %min3A_50 = arith.minsi %max3A_47, %min3A_49 : vector<16xi32>
    %mul3A_51 = arith.constant 24 : i32
    %mul3A_52 = vector.broadcast %mul3A_51 : i32 to vector<16xi32>
    %mul3A_53 = arith.muli %min3A_44, %mul3A_52 : vector<16xi32>
    %add3A_54 = arith.addi %mul3A_53, %min3A_50 : vector<16xi32>
    %swap3A_55 = arith.constant 0 : i32
    %swap3A_56 = arith.index_cast %swap3A_55 : i32 to index
    %swap3A_57 = arith.constant 16 : index
    %swap3A_58 = tpu.vector_load %arg8[%swap3A_56, %swap3A_57] {strides = array<i32>} : memref<8x32xi32, #tpu.memory_space<vmem>>, vector<1x16xi32>,
    %swap3A_59 = vector.shape_cast %swap3A_58 : vector<1x16xi32> to vector<16xi32>
    %swap3A_60 = vector.shape_cast %add3A_54 : vector<16xi32> to vector<1x16xi32>
    tpu.vector_store %arg8[%swap3A_56, %swap3A_57], %swap3A_60 {strides = array<i32>} : memref<8x32xi32, #tpu.memory_space<vmem>>, vector<1x16xi32>,
    %dma_start3A_61 = arith.constant 0 : i32
    %dma_start3A_62 = arith.constant 0 : i32
    %dma_start3A_63 = tpu.memref_slice %arg8[%dma_start3A_61, %dma_start3A_62] : memref<8x32xi32, #tpu.memory_space<vmem>> -> memref<1x32xi32, #tpu.memory_space<vmem>>
    %dma_start3A_64 = tpu.memref_squeeze %dma_start3A_63 : memref<1x32xi32, #tpu.memory_space<vmem>> -> memref<32xi32, #tpu.memory_space<vmem>>
    %dma_start3A_65 = arith.constant 0 : i32
    %dma_start3A_66 = arith.constant 0 : i32
    %dma_start3A_67 = tpu.memref_slice %arg4[%dma_start3A_65, %dma_start3A_66] : memref<1200x1024xf32, #tpu.memory_space<hbm>> -> memref<1200x1024xf32, #tpu.memory_space<hbm>>
    tpu.enqueue_indirect_dma source(%dma_start3A_67 : memref<1200x1024xf32, #tpu.memory_space<hbm>>) target(%arg9 : memref<32x1024xf32, #tpu.memory_space<vmem>>) offsets(%dma_start3A_64 : memref<32xi32, #tpu.memory_space<vmem>>) semaphore(%arg12 : memref<!tpu.dma_semaphore, #tpu.memory_space<semaphore_mem>>)
    %get3A_68 = arith.constant 32 : index
    %get3A_69 = tpu.vector_load %arg6[%get3A_68] {strides = array<i32>} : memref<256xi32, #tpu.memory_space<vmem>>, vector<16xi32>,
    %get3A_70 = vector.shape_cast %get3A_69 : vector<16xi32> to vector<16xi32>
    %get3A_71 = arith.constant 32 : index
    %get3A_72 = tpu.vector_load %arg7[%get3A_71] {strides = array<i32>} : memref<256xi32, #tpu.memory_space<vmem>>, vector<16xi32>,
    %get3A_73 = vector.shape_cast %get3A_72 : vector<16xi32> to vector<16xi32>
    %max3A_74 = arith.constant 0 : i32
    %max3A_75 = vector.broadcast %max3A_74 : i32 to vector<16xi32>
    %max3A_76 = arith.maxsi %get3A_70, %max3A_75 : vector<16xi32>
    %min3A_77 = arith.constant 49 : i32
    %min3A_78 = vector.broadcast %min3A_77 : i32 to vector<16xi32>
    %min3A_79 = arith.minsi %max3A_76, %min3A_78 : vector<16xi32>
    %max3A_80 = arith.constant 0 : i32
    %max3A_81 = vector.broadcast %max3A_80 : i32 to vector<16xi32>
    %max3A_82 = arith.maxsi %get3A_73, %max3A_81 : vector<16xi32>
    %min3A_83 = arith.constant 19 : i32
    %min3A_84 = vector.broadcast %min3A_83 : i32 to vector<16xi32>
    %min3A_85 = arith.minsi %max3A_82, %min3A_84 : vector<16xi32>
    %mul3A_86 = arith.constant 24 : i32
    %mul3A_87 = vector.broadcast %mul3A_86 : i32 to vector<16xi32>
    %mul3A_88 = arith.muli %min3A_79, %mul3A_87 : vector<16xi32>
    %add3A_89 = arith.addi %mul3A_88, %min3A_85 : vector<16xi32>
    %swap3A_90 = arith.constant 1 : i32
    %swap3A_91 = arith.index_cast %swap3A_90 : i32 to index
    %swap3A_92 = arith.constant 0 : index
    %swap3A_93 = tpu.vector_load %arg8[%swap3A_91, %swap3A_92] {strides = array<i32>} : memref<8x32xi32, #tpu.memory_space<vmem>>, vector<1x16xi32>,
    %swap3A_94 = vector.shape_cast %swap3A_93 : vector<1x16xi32> to vector<16xi32>
    %swap3A_95 = vector.shape_cast %add3A_89 : vector<16xi32> to vector<1x16xi32>
    tpu.vector_store %arg8[%swap3A_91, %swap3A_92], %swap3A_95 {strides = array<i32>} : memref<8x32xi32, #tpu.memory_space<vmem>>, vector<1x16xi32>,
    %get3A_96 = arith.constant 48 : index
    %get3A_97 = tpu.vector_load %arg6[%get3A_96] {strides = array<i32>} : memref<256xi32, #tpu.memory_space<vmem>>, vector<16xi32>,
    %get3A_98 = vector.shape_cast %get3A_97 : vector<16xi32> to vector<16xi32>
    %get3A_99 = arith.constant 48 : index
    %get3A_100 = tpu.vector_load %arg7[%get3A_99] {strides = array<i32>} : memref<256xi32, #tpu.memory_space<vmem>>, vector<16xi32>,
    %get3A_101 = vector.shape_cast %get3A_100 : vector<16xi32> to vector<16xi32>
    %max3A_102 = arith.constant 0 : i32
    %max3A_103 = vector.broadcast %max3A_102 : i32 to vector<16xi32>
    %max3A_104 = arith.maxsi %get3A_98, %max3A_103 : vector<16xi32>
    %min3A_105 = arith.constant 49 : i32
    %min3A_106 = vector.broadcast %min3A_105 : i32 to vector<16xi32>
    %min3A_107 = arith.minsi %max3A_104, %min3A_106 : vector<16xi32>
    %max3A_108 = arith.constant 0 : i32
    %max3A_109 = vector.broadcast %max3A_108 : i32 to vector<16xi32>
    %max3A_110 = arith.maxsi %get3A_101, %max3A_109 : vector<16xi32>
    %min3A_111 = arith.constant 19 : i32
    %min3A_112 = vector.broadcast %min3A_111 : i32 to vector<16xi32>
    %min3A_113 = arith.minsi %max3A_110, %min3A_112 : vector<16xi32>
    %mul3A_114 = arith.constant 24 : i32
    %mul3A_115 = vector.broadcast %mul3A_114 : i32 to vector<16xi32>
    %mul3A_116 = arith.muli %min3A_107, %mul3A_115 : vector<16xi32>
    %add3A_117 = arith.addi %mul3A_116, %min3A_113 : vector<16xi32>
    %swap3A_118 = arith.constant 1 : i32
    %swap3A_119 = arith.index_cast %swap3A_118 : i32 to index
    %swap3A_120 = arith.constant 16 : index
    %swap3A_121 = tpu.vector_load %arg8[%swap3A_119, %swap3A_120] {strides = array<i32>} : memref<8x32xi32, #tpu.memory_space<vmem>>, vector<1x16xi32>,
    %swap3A_122 = vector.shape_cast %swap3A_121 : vector<1x16xi32> to vector<16xi32>
    %swap3A_123 = vector.shape_cast %add3A_117 : vector<16xi32> to vector<1x16xi32>
    tpu.vector_store %arg8[%swap3A_119, %swap3A_120], %swap3A_123 {strides = array<i32>} : memref<8x32xi32, #tpu.memory_space<vmem>>, vector<1x16xi32>,
    %dma_start3A_124 = arith.constant 1 : i32
    %dma_start3A_125 = arith.constant 0 : i32
    %dma_start3A_126 = tpu.memref_slice %arg8[%dma_start3A_124, %dma_start3A_125] : memref<8x32xi32, #tpu.memory_space<vmem>> -> memref<1x32xi32, #tpu.memory_space<vmem>>
    %dma_start3A_127 = tpu.memref_squeeze %dma_start3A_126 : memref<1x32xi32, #tpu.memory_space<vmem>> -> memref<32xi32, #tpu.memory_space<vmem>>
    %dma_start3A_128 = arith.constant 0 : i32
    %dma_start3A_129 = arith.constant 0 : i32
    %dma_start3A_130 = tpu.memref_slice %arg4[%dma_start3A_128, %dma_start3A_129] : memref<1200x1024xf32, #tpu.memory_space<hbm>> -> memref<1200x1024xf32, #tpu.memory_space<hbm>>
    tpu.enqueue_indirect_dma source(%dma_start3A_130 : memref<1200x1024xf32, #tpu.memory_space<hbm>>) target(%arg10 : memref<32x1024xf32, #tpu.memory_space<vmem>>) offsets(%dma_start3A_127 : memref<32xi32, #tpu.memory_space<vmem>>) semaphore(%arg13 : memref<!tpu.dma_semaphore, #tpu.memory_space<semaphore_mem>>)
    %get3A_131 = arith.constant 64 : index
    %get3A_132 = tpu.vector_load %arg6[%get3A_131] {strides = array<i32>} : memref<256xi32, #tpu.memory_space<vmem>>, vector<16xi32>,
    %get3A_133 = vector.shape_cast %get3A_132 : vector<16xi32> to vector<16xi32>
    %get3A_134 = arith.constant 64 : index
    %get3A_135 = tpu.vector_load %arg7[%get3A_134] {strides = array<i32>} : memref<256xi32, #tpu.memory_space<vmem>>, vector<16xi32>,
    %get3A_136 = vector.shape_cast %get3A_135 : vector<16xi32> to vector<16xi32>
    %max3A_137 = arith.constant 0 : i32
    %max3A_138 = vector.broadcast %max3A_137 : i32 to vector<16xi32>
    %max3A_139 = arith.maxsi %get3A_133, %max3A_138 : vector<16xi32>
    %min3A_140 = arith.constant 49 : i32
    %min3A_141 = vector.broadcast %min3A_140 : i32 to vector<16xi32>
    %min3A_142 = arith.minsi %max3A_139, %min3A_141 : vector<16xi32>
    %max3A_143 = arith.constant 0 : i32
    %max3A_144 = vector.broadcast %max3A_143 : i32 to vector<16xi32>
    %max3A_145 = arith.maxsi %get3A_136, %max3A_144 : vector<16xi32>
    %min3A_146 = arith.constant 19 : i32
    %min3A_147 = vector.broadcast %min3A_146 : i32 to vector<16xi32>
    %min3A_148 = arith.minsi %max3A_145, %min3A_147 : vector<16xi32>
    %mul3A_149 = arith.constant 24 : i32
    %mul3A_150 = vector.broadcast %mul3A_149 : i32 to vector<16xi32>
    %mul3A_151 = arith.muli %min3A_142, %mul3A_150 : vector<16xi32>
    %add3A_152 = arith.addi %mul3A_151, %min3A_148 : vector<16xi32>
    %swap3A_153 = arith.constant 2 : i32
    %swap3A_154 = arith.index_cast %swap3A_153 : i32 to index
    %swap3A_155 = arith.constant 0 : index
    %swap3A_156 = tpu.vector_load %arg8[%swap3A_154, %swap3A_155] {strides = array<i32>} : memref<8x32xi32, #tpu.memory_space<vmem>>, vector<1x16xi32>,
    %swap3A_157 = vector.shape_cast %swap3A_156 : vector<1x16xi32> to vector<16xi32>
    %swap3A_158 = vector.shape_cast %add3A_152 : vector<16xi32> to vector<1x16xi32>
    tpu.vector_store %arg8[%swap3A_154, %swap3A_155], %swap3A_158 {strides = array<i32>} : memref<8x32xi32, #tpu.memory_space<vmem>>, vector<1x16xi32>,
    %get3A_159 = arith.constant 80 : index
    %get3A_160 = tpu.vector_load %arg6[%get3A_159] {strides = array<i32>} : memref<256xi32, #tpu.memory_space<vmem>>, vector<16xi32>,
    %get3A_161 = vector.shape_cast %get3A_160 : vector<16xi32> to vector<16xi32>
    %get3A_162 = arith.constant 80 : index
    %get3A_163 = tpu.vector_load %arg7[%get3A_162] {strides = array<i32>} : memref<256xi32, #tpu.memory_space<vmem>>, vector<16xi32>,
    %get3A_164 = vector.shape_cast %get3A_163 : vector<16xi32> to vector<16xi32>
    %max3A_165 = arith.constant 0 : i32
    %max3A_166 = vector.broadcast %max3A_165 : i32 to vector<16xi32>
    %max3A_167 = arith.maxsi %get3A_161, %max3A_166 : vector<16xi32>
    %min3A_168 = arith.constant 49 : i32
    %min3A_169 = vector.broadcast %min3A_168 : i32 to vector<16xi32>
    %min3A_170 = arith.minsi %max3A_167, %min3A_169 : vector<16xi32>
    %max3A_171 = arith.constant 0 : i32
    %max3A_172 = vector.broadcast %max3A_171 : i32 to vector<16xi32>
    %max3A_173 = arith.maxsi %get3A_164, %max3A_172 : vector<16xi32>
    %min3A_174 = arith.constant 19 : i32
    %min3A_175 = vector.broadcast %min3A_174 : i32 to vector<16xi32>
    %min3A_176 = arith.minsi %max3A_173, %min3A_175 : vector<16xi32>
    %mul3A_177 = arith.constant 24 : i32
    %mul3A_178 = vector.broadcast %mul3A_177 : i32 to vector<16xi32>
    %mul3A_179 = arith.muli %min3A_170, %mul3A_178 : vector<16xi32>
    %add3A_180 = arith.addi %mul3A_179, %min3A_176 : vector<16xi32>
    %swap3A_181 = arith.constant 2 : i32
    %swap3A_182 = arith.index_cast %swap3A_181 : i32 to index
    %swap3A_183 = arith.constant 16 : index
    %swap3A_184 = tpu.vector_load %arg8[%swap3A_182, %swap3A_183] {strides = array<i32>} : memref<8x32xi32, #tpu.memory_space<vmem>>, vector<1x16xi32>,
    %swap3A_185 = vector.shape_cast %swap3A_184 : vector<1x16xi32> to vector<16xi32>
    %swap3A_186 = vector.shape_cast %add3A_180 : vector<16xi32> to vector<1x16xi32>
    tpu.vector_store %arg8[%swap3A_182, %swap3A_183], %swap3A_186 {strides = array<i32>} : memref<8x32xi32, #tpu.memory_space<vmem>>, vector<1x16xi32>,
    %get3A_187 = arith.constant 96 : index
    %get3A_188 = tpu.vector_load %arg6[%get3A_187] {strides = array<i32>} : memref<256xi32, #tpu.memory_space<vmem>>, vector<16xi32>,
    %get3A_189 = vector.shape_cast %get3A_188 : vector<16xi32> to vector<16xi32>
    %get3A_190 = arith.constant 96 : index
    %get3A_191 = tpu.vector_load %arg7[%get3A_190] {strides = array<i32>} : memref<256xi32, #tpu.memory_space<vmem>>, vector<16xi32>,
    %get3A_192 = vector.shape_cast %get3A_191 : vector<16xi32> to vector<16xi32>
    %max3A_193 = arith.constant 0 : i32
    %max3A_194 = vector.broadcast %max3A_193 : i32 to vector<16xi32>
    %max3A_195 = arith.maxsi %get3A_189, %max3A_194 : vector<16xi32>
    %min3A_196 = arith.constant 49 : i32
    %min3A_197 = vector.broadcast %min3A_196 : i32 to vector<16xi32>
    %min3A_198 = arith.minsi %max3A_195, %min3A_197 : vector<16xi32>
    %max3A_199 = arith.constant 0 : i32
    %max3A_200 = vector.broadcast %max3A_199 : i32 to vector<16xi32>
    %max3A_201 = arith.maxsi %get3A_192, %max3A_200 : vector<16xi32>
    %min3A_202 = arith.constant 19 : i32
    %min3A_203 = vector.broadcast %min3A_202 : i32 to vector<16xi32>
    %min3A_204 = arith.minsi %max3A_201, %min3A_203 : vector<16xi32>
    %mul3A_205 = arith.constant 24 : i32
    %mul3A_206 = vector.broadcast %mul3A_205 : i32 to vector<16xi32>
    %mul3A_207 = arith.muli %min3A_198, %mul3A_206 : vector<16xi32>
    %add3A_208 = arith.addi %mul3A_207, %min3A_204 : vector<16xi32>
    %swap3A_209 = arith.constant 3 : i32
    %swap3A_210 = arith.index_cast %swap3A_209 : i32 to index
    %swap3A_211 = arith.constant 0 : index
    %swap3A_212 = tpu.vector_load %arg8[%swap3A_210, %swap3A_211] {strides = array<i32>} : memref<8x32xi32, #tpu.memory_space<vmem>>, vector<1x16xi32>,
    %swap3A_213 = vector.shape_cast %swap3A_212 : vector<1x16xi32> to vector<16xi32>
    %swap3A_214 = vector.shape_cast %add3A_208 : vector<16xi32> to vector<1x16xi32>
    tpu.vector_store %arg8[%swap3A_210, %swap3A_211], %swap3A_214 {strides = array<i32>} : memref<8x32xi32, #tpu.memory_space<vmem>>, vector<1x16xi32>,
    %get3A_215 = arith.constant 112 : index
    %get3A_216 = tpu.vector_load %arg6[%get3A_215] {strides = array<i32>} : memref<256xi32, #tpu.memory_space<vmem>>, vector<16xi32>,
    %get3A_217 = vector.shape_cast %get3A_216 : vector<16xi32> to vector<16xi32>
    %get3A_218 = arith.constant 112 : index
    %get3A_219 = tpu.vector_load %arg7[%get3A_218] {strides = array<i32>} : memref<256xi32, #tpu.memory_space<vmem>>, vector<16xi32>,
    %get3A_220 = vector.shape_cast %get3A_219 : vector<16xi32> to vector<16xi32>
    %max3A_221 = arith.constant 0 : i32
    %max3A_222 = vector.broadcast %max3A_221 : i32 to vector<16xi32>
    %max3A_223 = arith.maxsi %get3A_217, %max3A_222 : vector<16xi32>
    %min3A_224 = arith.constant 49 : i32
    %min3A_225 = vector.broadcast %min3A_224 : i32 to vector<16xi32>
    %min3A_226 = arith.minsi %max3A_223, %min3A_225 : vector<16xi32>
    %max3A_227 = arith.constant 0 : i32
    %max3A_228 = vector.broadcast %max3A_227 : i32 to vector<16xi32>
    %max3A_229 = arith.maxsi %get3A_220, %max3A_228 : vector<16xi32>
    %min3A_230 = arith.constant 19 : i32
    %min3A_231 = vector.broadcast %min3A_230 : i32 to vector<16xi32>
    %min3A_232 = arith.minsi %max3A_229, %min3A_231 : vector<16xi32>
    %mul3A_233 = arith.constant 24 : i32
    %mul3A_234 = vector.broadcast %mul3A_233 : i32 to vector<16xi32>
    %mul3A_235 = arith.muli %min3A_226, %mul3A_234 : vector<16xi32>
    %add3A_236 = arith.addi %mul3A_235, %min3A_232 : vector<16xi32>
    %swap3A_237 = arith.constant 3 : i32
    %swap3A_238 = arith.index_cast %swap3A_237 : i32 to index
    %swap3A_239 = arith.constant 16 : index
    %swap3A_240 = tpu.vector_load %arg8[%swap3A_238, %swap3A_239] {strides = array<i32>} : memref<8x32xi32, #tpu.memory_space<vmem>>, vector<1x16xi32>,
    %swap3A_241 = vector.shape_cast %swap3A_240 : vector<1x16xi32> to vector<16xi32>
    %swap3A_242 = vector.shape_cast %add3A_236 : vector<16xi32> to vector<1x16xi32>
    tpu.vector_store %arg8[%swap3A_238, %swap3A_239], %swap3A_242 {strides = array<i32>} : memref<8x32xi32, #tpu.memory_space<vmem>>, vector<1x16xi32>,
    %get3A_243 = arith.constant 128 : index
    %get3A_244 = tpu.vector_load %arg6[%get3A_243] {strides = array<i32>} : memref<256xi32, #tpu.memory_space<vmem>>, vector<16xi32>,
    %get3A_245 = vector.shape_cast %get3A_244 : vector<16xi32> to vector<16xi32>
    %get3A_246 = arith.constant 128 : index
    %get3A_247 = tpu.vector_load %arg7[%get3A_246] {strides = array<i32>} : memref<256xi32, #tpu.memory_space<vmem>>, vector<16xi32>,
    %get3A_248 = vector.shape_cast %get3A_247 : vector<16xi32> to vector<16xi32>
    %max3A_249 = arith.constant 0 : i32
    %max3A_250 = vector.broadcast %max3A_249 : i32 to vector<16xi32>
    %max3A_251 = arith.maxsi %get3A_245, %max3A_250 : vector<16xi32>
    %min3A_252 = arith.constant 49 : i32
    %min3A_253 = vector.broadcast %min3A_252 : i32 to vector<16xi32>
    %min3A_254 = arith.minsi %max3A_251, %min3A_253 : vector<16xi32>
    %max3A_255 = arith.constant 0 : i32
    %max3A_256 = vector.broadcast %max3A_255 : i32 to vector<16xi32>
    %max3A_257 = arith.maxsi %get3A_248, %max3A_256 : vector<16xi32>
    %min3A_258 = arith.constant 19 : i32
    %min3A_259 = vector.broadcast %min3A_258 : i32 to vector<16xi32>
    %min3A_260 = arith.minsi %max3A_257, %min3A_259 : vector<16xi32>
    %mul3A_261 = arith.constant 24 : i32
    %mul3A_262 = vector.broadcast %mul3A_261 : i32 to vector<16xi32>
    %mul3A_263 = arith.muli %min3A_254, %mul3A_262 : vector<16xi32>
    %add3A_264 = arith.addi %mul3A_263, %min3A_260 : vector<16xi32>
    %swap3A_265 = arith.constant 4 : i32
    %swap3A_266 = arith.index_cast %swap3A_265 : i32 to index
    %swap3A_267 = arith.constant 0 : index
    %swap3A_268 = tpu.vector_load %arg8[%swap3A_266, %swap3A_267] {strides = array<i32>} : memref<8x32xi32, #tpu.memory_space<vmem>>, vector<1x16xi32>,
    %swap3A_269 = vector.shape_cast %swap3A_268 : vector<1x16xi32> to vector<16xi32>
    %swap3A_270 = vector.shape_cast %add3A_264 : vector<16xi32> to vector<1x16xi32>
    tpu.vector_store %arg8[%swap3A_266, %swap3A_267], %swap3A_270 {strides = array<i32>} : memref<8x32xi32, #tpu.memory_space<vmem>>, vector<1x16xi32>,
    %get3A_271 = arith.constant 144 : index
    %get3A_272 = tpu.vector_load %arg6[%get3A_271] {strides = array<i32>} : memref<256xi32, #tpu.memory_space<vmem>>, vector<16xi32>,
    %get3A_273 = vector.shape_cast %get3A_272 : vector<16xi32> to vector<16xi32>
    %get3A_274 = arith.constant 144 : index
    %get3A_275 = tpu.vector_load %arg7[%get3A_274] {strides = array<i32>} : memref<256xi32, #tpu.memory_space<vmem>>, vector<16xi32>,
    %get3A_276 = vector.shape_cast %get3A_275 : vector<16xi32> to vector<16xi32>
    %max3A_277 = arith.constant 0 : i32
    %max3A_278 = vector.broadcast %max3A_277 : i32 to vector<16xi32>
    %max3A_279 = arith.maxsi %get3A_273, %max3A_278 : vector<16xi32>
    %min3A_280 = arith.constant 49 : i32
    %min3A_281 = vector.broadcast %min3A_280 : i32 to vector<16xi32>
    %min3A_282 = arith.minsi %max3A_279, %min3A_281 : vector<16xi32>
    %max3A_283 = arith.constant 0 : i32
    %max3A_284 = vector.broadcast %max3A_283 : i32 to vector<16xi32>
    %max3A_285 = arith.maxsi %get3A_276, %max3A_284 : vector<16xi32>
    %min3A_286 = arith.constant 19 : i32
    %min3A_287 = vector.broadcast %min3A_286 : i32 to vector<16xi32>
    %min3A_288 = arith.minsi %max3A_285, %min3A_287 : vector<16xi32>
    %mul3A_289 = arith.constant 24 : i32
    %mul3A_290 = vector.broadcast %mul3A_289 : i32 to vector<16xi32>
    %mul3A_291 = arith.muli %min3A_282, %mul3A_290 : vector<16xi32>
    %add3A_292 = arith.addi %mul3A_291, %min3A_288 : vector<16xi32>
    %swap3A_293 = arith.constant 4 : i32
    %swap3A_294 = arith.index_cast %swap3A_293 : i32 to index
    %swap3A_295 = arith.constant 16 : index
    %swap3A_296 = tpu.vector_load %arg8[%swap3A_294, %swap3A_295] {strides = array<i32>} : memref<8x32xi32, #tpu.memory_space<vmem>>, vector<1x16xi32>,
    %swap3A_297 = vector.shape_cast %swap3A_296 : vector<1x16xi32> to vector<16xi32>
    %swap3A_298 = vector.shape_cast %add3A_292 : vector<16xi32> to vector<1x16xi32>
    tpu.vector_store %arg8[%swap3A_294, %swap3A_295], %swap3A_298 {strides = array<i32>} : memref<8x32xi32, #tpu.memory_space<vmem>>, vector<1x16xi32>,
    %get3A_299 = arith.constant 160 : index
    %get3A_300 = tpu.vector_load %arg6[%get3A_299] {strides = array<i32>} : memref<256xi32, #tpu.memory_space<vmem>>, vector<16xi32>,
    %get3A_301 = vector.shape_cast %get3A_300 : vector<16xi32> to vector<16xi32>
    %get3A_302 = arith.constant 160 : index
    %get3A_303 = tpu.vector_load %arg7[%get3A_302] {strides = array<i32>} : memref<256xi32, #tpu.memory_space<vmem>>, vector<16xi32>,
    %get3A_304 = vector.shape_cast %get3A_303 : vector<16xi32> to vector<16xi32>
    %max3A_305 = arith.constant 0 : i32
    %max3A_306 = vector.broadcast %max3A_305 : i32 to vector<16xi32>
    %max3A_307 = arith.maxsi %get3A_301, %max3A_306 : vector<16xi32>
    %min3A_308 = arith.constant 49 : i32
    %min3A_309 = vector.broadcast %min3A_308 : i32 to vector<16xi32>
    %min3A_310 = arith.minsi %max3A_307, %min3A_309 : vector<16xi32>
    %max3A_311 = arith.constant 0 : i32
    %max3A_312 = vector.broadcast %max3A_311 : i32 to vector<16xi32>
    %max3A_313 = arith.maxsi %get3A_304, %max3A_312 : vector<16xi32>
    %min3A_314 = arith.constant 19 : i32
    %min3A_315 = vector.broadcast %min3A_314 : i32 to vector<16xi32>
    %min3A_316 = arith.minsi %max3A_313, %min3A_315 : vector<16xi32>
    %mul3A_317 = arith.constant 24 : i32
    %mul3A_318 = vector.broadcast %mul3A_317 : i32 to vector<16xi32>
    %mul3A_319 = arith.muli %min3A_310, %mul3A_318 : vector<16xi32>
    %add3A_320 = arith.addi %mul3A_319, %min3A_316 : vector<16xi32>
    %swap3A_321 = arith.constant 5 : i32
    %swap3A_322 = arith.index_cast %swap3A_321 : i32 to index
    %swap3A_323 = arith.constant 0 : index
    %swap3A_324 = tpu.vector_load %arg8[%swap3A_322, %swap3A_323] {strides = array<i32>} : memref<8x32xi32, #tpu.memory_space<vmem>>, vector<1x16xi32>,
    %swap3A_325 = vector.shape_cast %swap3A_324 : vector<1x16xi32> to vector<16xi32>
    %swap3A_326 = vector.shape_cast %add3A_320 : vector<16xi32> to vector<1x16xi32>
    tpu.vector_store %arg8[%swap3A_322, %swap3A_323], %swap3A_326 {strides = array<i32>} : memref<8x32xi32, #tpu.memory_space<vmem>>, vector<1x16xi32>,
    %get3A_327 = arith.constant 176 : index
    %get3A_328 = tpu.vector_load %arg6[%get3A_327] {strides = array<i32>} : memref<256xi32, #tpu.memory_space<vmem>>, vector<16xi32>,
    %get3A_329 = vector.shape_cast %get3A_328 : vector<16xi32> to vector<16xi32>
    %get3A_330 = arith.constant 176 : index
    %get3A_331 = tpu.vector_load %arg7[%get3A_330] {strides = array<i32>} : memref<256xi32, #tpu.memory_space<vmem>>, vector<16xi32>,
    %get3A_332 = vector.shape_cast %get3A_331 : vector<16xi32> to vector<16xi32>
    %max3A_333 = arith.constant 0 : i32
    %max3A_334 = vector.broadcast %max3A_333 : i32 to vector<16xi32>
    %max3A_335 = arith.maxsi %get3A_329, %max3A_334 : vector<16xi32>
    %min3A_336 = arith.constant 49 : i32
    %min3A_337 = vector.broadcast %min3A_336 : i32 to vector<16xi32>
    %min3A_338 = arith.minsi %max3A_335, %min3A_337 : vector<16xi32>
    %max3A_339 = arith.constant 0 : i32
    %max3A_340 = vector.broadcast %max3A_339 : i32 to vector<16xi32>
    %max3A_341 = arith.maxsi %get3A_332, %max3A_340 : vector<16xi32>
    %min3A_342 = arith.constant 19 : i32
    %min3A_343 = vector.broadcast %min3A_342 : i32 to vector<16xi32>
    %min3A_344 = arith.minsi %max3A_341, %min3A_343 : vector<16xi32>
    %mul3A_345 = arith.constant 24 : i32
    %mul3A_346 = vector.broadcast %mul3A_345 : i32 to vector<16xi32>
    %mul3A_347 = arith.muli %min3A_338, %mul3A_346 : vector<16xi32>
    %add3A_348 = arith.addi %mul3A_347, %min3A_344 : vector<16xi32>
    %swap3A_349 = arith.constant 5 : i32
    %swap3A_350 = arith.index_cast %swap3A_349 : i32 to index
    %swap3A_351 = arith.constant 16 : index
    %swap3A_352 = tpu.vector_load %arg8[%swap3A_350, %swap3A_351] {strides = array<i32>} : memref<8x32xi32, #tpu.memory_space<vmem>>, vector<1x16xi32>,
    %swap3A_353 = vector.shape_cast %swap3A_352 : vector<1x16xi32> to vector<16xi32>
    %swap3A_354 = vector.shape_cast %add3A_348 : vector<16xi32> to vector<1x16xi32>
    tpu.vector_store %arg8[%swap3A_350, %swap3A_351], %swap3A_354 {strides = array<i32>} : memref<8x32xi32, #tpu.memory_space<vmem>>, vector<1x16xi32>,
    %get3A_355 = arith.constant 192 : index
    %get3A_356 = tpu.vector_load %arg6[%get3A_355] {strides = array<i32>} : memref<256xi32, #tpu.memory_space<vmem>>, vector<16xi32>,
    %get3A_357 = vector.shape_cast %get3A_356 : vector<16xi32> to vector<16xi32>
    %get3A_358 = arith.constant 192 : index
    %get3A_359 = tpu.vector_load %arg7[%get3A_358] {strides = array<i32>} : memref<256xi32, #tpu.memory_space<vmem>>, vector<16xi32>,
    %get3A_360 = vector.shape_cast %get3A_359 : vector<16xi32> to vector<16xi32>
    %max3A_361 = arith.constant 0 : i32
    %max3A_362 = vector.broadcast %max3A_361 : i32 to vector<16xi32>
    %max3A_363 = arith.maxsi %get3A_357, %max3A_362 : vector<16xi32>
    %min3A_364 = arith.constant 49 : i32
    %min3A_365 = vector.broadcast %min3A_364 : i32 to vector<16xi32>
    %min3A_366 = arith.minsi %max3A_363, %min3A_365 : vector<16xi32>
    %max3A_367 = arith.constant 0 : i32
    %max3A_368 = vector.broadcast %max3A_367 : i32 to vector<16xi32>
    %max3A_369 = arith.maxsi %get3A_360, %max3A_368 : vector<16xi32>
    %min3A_370 = arith.constant 19 : i32
    %min3A_371 = vector.broadcast %min3A_370 : i32 to vector<16xi32>
    %min3A_372 = arith.minsi %max3A_369, %min3A_371 : vector<16xi32>
    %mul3A_373 = arith.constant 24 : i32
    %mul3A_374 = vector.broadcast %mul3A_373 : i32 to vector<16xi32>
    %mul3A_375 = arith.muli %min3A_366, %mul3A_374 : vector<16xi32>
    %add3A_376 = arith.addi %mul3A_375, %min3A_372 : vector<16xi32>
    %swap3A_377 = arith.constant 6 : i32
    %swap3A_378 = arith.index_cast %swap3A_377 : i32 to index
    %swap3A_379 = arith.constant 0 : index
    %swap3A_380 = tpu.vector_load %arg8[%swap3A_378, %swap3A_379] {strides = array<i32>} : memref<8x32xi32, #tpu.memory_space<vmem>>, vector<1x16xi32>,
    %swap3A_381 = vector.shape_cast %swap3A_380 : vector<1x16xi32> to vector<16xi32>
    %swap3A_382 = vector.shape_cast %add3A_376 : vector<16xi32> to vector<1x16xi32>
    tpu.vector_store %arg8[%swap3A_378, %swap3A_379], %swap3A_382 {strides = array<i32>} : memref<8x32xi32, #tpu.memory_space<vmem>>, vector<1x16xi32>,
    %get3A_383 = arith.constant 208 : index
    %get3A_384 = tpu.vector_load %arg6[%get3A_383] {strides = array<i32>} : memref<256xi32, #tpu.memory_space<vmem>>, vector<16xi32>,
    %get3A_385 = vector.shape_cast %get3A_384 : vector<16xi32> to vector<16xi32>
    %get3A_386 = arith.constant 208 : index
    %get3A_387 = tpu.vector_load %arg7[%get3A_386] {strides = array<i32>} : memref<256xi32, #tpu.memory_space<vmem>>, vector<16xi32>,
    %get3A_388 = vector.shape_cast %get3A_387 : vector<16xi32> to vector<16xi32>
    %max3A_389 = arith.constant 0 : i32
    %max3A_390 = vector.broadcast %max3A_389 : i32 to vector<16xi32>
    %max3A_391 = arith.maxsi %get3A_385, %max3A_390 : vector<16xi32>
    %min3A_392 = arith.constant 49 : i32
    %min3A_393 = vector.broadcast %min3A_392 : i32 to vector<16xi32>
    %min3A_394 = arith.minsi %max3A_391, %min3A_393 : vector<16xi32>
    %max3A_395 = arith.constant 0 : i32
    %max3A_396 = vector.broadcast %max3A_395 : i32 to vector<16xi32>
    %max3A_397 = arith.maxsi %get3A_388, %max3A_396 : vector<16xi32>
    %min3A_398 = arith.constant 19 : i32
    %min3A_399 = vector.broadcast %min3A_398 : i32 to vector<16xi32>
    %min3A_400 = arith.minsi %max3A_397, %min3A_399 : vector<16xi32>
    %mul3A_401 = arith.constant 24 : i32
    %mul3A_402 = vector.broadcast %mul3A_401 : i32 to vector<16xi32>
    %mul3A_403 = arith.muli %min3A_394, %mul3A_402 : vector<16xi32>
    %add3A_404 = arith.addi %mul3A_403, %min3A_400 : vector<16xi32>
    %swap3A_405 = arith.constant 6 : i32
    %swap3A_406 = arith.index_cast %swap3A_405 : i32 to index
    %swap3A_407 = arith.constant 16 : index
    %swap3A_408 = tpu.vector_load %arg8[%swap3A_406, %swap3A_407] {strides = array<i32>} : memref<8x32xi32, #tpu.memory_space<vmem>>, vector<1x16xi32>,
    %swap3A_409 = vector.shape_cast %swap3A_408 : vector<1x16xi32> to vector<16xi32>
    %swap3A_410 = vector.shape_cast %add3A_404 : vector<16xi32> to vector<1x16xi32>
    tpu.vector_store %arg8[%swap3A_406, %swap3A_407], %swap3A_410 {strides = array<i32>} : memref<8x32xi32, #tpu.memory_space<vmem>>, vector<1x16xi32>,
    %get3A_411 = arith.constant 224 : index
    %get3A_412 = tpu.vector_load %arg6[%get3A_411] {strides = array<i32>} : memref<256xi32, #tpu.memory_space<vmem>>, vector<16xi32>,
    %get3A_413 = vector.shape_cast %get3A_412 : vector<16xi32> to vector<16xi32>
    %get3A_414 = arith.constant 224 : index
    %get3A_415 = tpu.vector_load %arg7[%get3A_414] {strides = array<i32>} : memref<256xi32, #tpu.memory_space<vmem>>, vector<16xi32>,
    %get3A_416 = vector.shape_cast %get3A_415 : vector<16xi32> to vector<16xi32>
    %max3A_417 = arith.constant 0 : i32
    %max3A_418 = vector.broadcast %max3A_417 : i32 to vector<16xi32>
    %max3A_419 = arith.maxsi %get3A_413, %max3A_418 : vector<16xi32>
    %min3A_420 = arith.constant 49 : i32
    %min3A_421 = vector.broadcast %min3A_420 : i32 to vector<16xi32>
    %min3A_422 = arith.minsi %max3A_419, %min3A_421 : vector<16xi32>
    %max3A_423 = arith.constant 0 : i32
    %max3A_424 = vector.broadcast %max3A_423 : i32 to vector<16xi32>
    %max3A_425 = arith.maxsi %get3A_416, %max3A_424 : vector<16xi32>
    %min3A_426 = arith.constant 19 : i32
    %min3A_427 = vector.broadcast %min3A_426 : i32 to vector<16xi32>
    %min3A_428 = arith.minsi %max3A_425, %min3A_427 : vector<16xi32>
    %mul3A_429 = arith.constant 24 : i32
    %mul3A_430 = vector.broadcast %mul3A_429 : i32 to vector<16xi32>
    %mul3A_431 = arith.muli %min3A_422, %mul3A_430 : vector<16xi32>
    %add3A_432 = arith.addi %mul3A_431, %min3A_428 : vector<16xi32>
    %swap3A_433 = arith.constant 7 : i32
    %swap3A_434 = arith.index_cast %swap3A_433 : i32 to index
    %swap3A_435 = arith.constant 0 : index
    %swap3A_436 = tpu.vector_load %arg8[%swap3A_434, %swap3A_435] {strides = array<i32>} : memref<8x32xi32, #tpu.memory_space<vmem>>, vector<1x16xi32>,
    %swap3A_437 = vector.shape_cast %swap3A_436 : vector<1x16xi32> to vector<16xi32>
    %swap3A_438 = vector.shape_cast %add3A_432 : vector<16xi32> to vector<1x16xi32>
    tpu.vector_store %arg8[%swap3A_434, %swap3A_435], %swap3A_438 {strides = array<i32>} : memref<8x32xi32, #tpu.memory_space<vmem>>, vector<1x16xi32>,
    %get3A_439 = arith.constant 240 : index
    %get3A_440 = tpu.vector_load %arg6[%get3A_439] {strides = array<i32>} : memref<256xi32, #tpu.memory_space<vmem>>, vector<16xi32>,
    %get3A_441 = vector.shape_cast %get3A_440 : vector<16xi32> to vector<16xi32>
    %get3A_442 = arith.constant 240 : index
    %get3A_443 = tpu.vector_load %arg7[%get3A_442] {strides = array<i32>} : memref<256xi32, #tpu.memory_space<vmem>>, vector<16xi32>,
    %get3A_444 = vector.shape_cast %get3A_443 : vector<16xi32> to vector<16xi32>
    %max3A_445 = arith.constant 0 : i32
    %max3A_446 = vector.broadcast %max3A_445 : i32 to vector<16xi32>
    %max3A_447 = arith.maxsi %get3A_441, %max3A_446 : vector<16xi32>
    %min3A_448 = arith.constant 49 : i32
    %min3A_449 = vector.broadcast %min3A_448 : i32 to vector<16xi32>
    %min3A_450 = arith.minsi %max3A_447, %min3A_449 : vector<16xi32>
    %max3A_451 = arith.constant 0 : i32
    %max3A_452 = vector.broadcast %max3A_451 : i32 to vector<16xi32>
    %max3A_453 = arith.maxsi %get3A_444, %max3A_452 : vector<16xi32>
    %min3A_454 = arith.constant 19 : i32
    %min3A_455 = vector.broadcast %min3A_454 : i32 to vector<16xi32>
    %min3A_456 = arith.minsi %max3A_453, %min3A_455 : vector<16xi32>
    %mul3A_457 = arith.constant 24 : i32
    %mul3A_458 = vector.broadcast %mul3A_457 : i32 to vector<16xi32>
    %mul3A_459 = arith.muli %min3A_450, %mul3A_458 : vector<16xi32>
    %add3A_460 = arith.addi %mul3A_459, %min3A_456 : vector<16xi32>
    %swap3A_461 = arith.constant 7 : i32
    %swap3A_462 = arith.index_cast %swap3A_461 : i32 to index
    %swap3A_463 = arith.constant 16 : index
    %swap3A_464 = tpu.vector_load %arg8[%swap3A_462, %swap3A_463] {strides = array<i32>} : memref<8x32xi32, #tpu.memory_space<vmem>>, vector<1x16xi32>,
    %swap3A_465 = vector.shape_cast %swap3A_464 : vector<1x16xi32> to vector<16xi32>
    %swap3A_466 = vector.shape_cast %add3A_460 : vector<16xi32> to vector<1x16xi32>
    tpu.vector_store %arg8[%swap3A_462, %swap3A_463], %swap3A_466 {strides = array<i32>} : memref<8x32xi32, #tpu.memory_space<vmem>>, vector<1x16xi32>,
    %dma_wait3A_467 = arith.constant 0 : i32
    %dma_wait3A_468 = arith.constant 0 : i32
    %dma_wait3A_469 = tpu.memref_slice %arg8[%dma_wait3A_467, %dma_wait3A_468] : memref<8x32xi32, #tpu.memory_space<vmem>> -> memref<1x32xi32, #tpu.memory_space<vmem>>
    %dma_wait3A_470 = tpu.memref_squeeze %dma_wait3A_469 : memref<1x32xi32, #tpu.memory_space<vmem>> -> memref<32xi32, #tpu.memory_space<vmem>>
    %dma_wait3A_471 = arith.constant 0 : i32
    %dma_wait3A_472 = arith.constant 0 : i32
    %dma_wait3A_473 = tpu.memref_slice %arg4[%dma_wait3A_471, %dma_wait3A_472] : memref<1200x1024xf32, #tpu.memory_space<hbm>> -> memref<1200x1024xf32, #tpu.memory_space<hbm>>
    tpu.wait_indirect_dma semaphore(%arg12 : memref<!tpu.dma_semaphore, #tpu.memory_space<semaphore_mem>>) src(%dma_wait3A_473 : memref<1200x1024xf32, #tpu.memory_space<hbm>>) dst(%arg9 : memref<32x1024xf32, #tpu.memory_space<vmem>>)
    %add3A_474 = arith.constant 0 : i32
    %add3A_475 = arith.addi %mul3A_2, %add3A_474 : i32
    %dma_start3A_476 = arith.constant 0 : i32
    %dma_start3A_477 = arith.constant 0 : i32
    %dma_start3A_478 = tpu.memref_slice %arg5[%add3A_475, %dma_start3A_476, %dma_start3A_477] : memref<8192x1x1024xf32, #tpu.memory_space<hbm>> -> memref<32x1x1024xf32, #tpu.memory_space<hbm>>
    %dma_start3A_479 = tpu.memref_squeeze %dma_start3A_478 : memref<32x1x1024xf32, #tpu.memory_space<hbm>> -> memref<32x1024xf32, #tpu.memory_space<hbm>>
    %dma_start3A_480 = arith.constant 0 : i32
    %dma_start3A_481 = tpu.memref_slice %arg5[%add3A_475, %dma_start3A_476, %dma_start3A_480] : memref<8192x1x1024xf32, #tpu.memory_space<hbm>> -> memref<32x1x1024xf32, #tpu.memory_space<hbm>>
    %dma_start3A_482 = tpu.memref_squeeze %dma_start3A_481 : memref<32x1x1024xf32, #tpu.memory_space<hbm>> -> memref<32x1024xf32, #tpu.memory_space<hbm>>
    tpu.enqueue_dma source(%arg9 : memref<32x1024xf32, #tpu.memory_space<vmem>>) target(%dma_start3A_482 : memref<32x1024xf32, #tpu.memory_space<hbm>>) target_semaphore(%arg15 : memref<!tpu.dma_semaphore, #tpu.memory_space<semaphore_mem>>)
    %dma_start3A_483 = arith.constant 2 : i32
    %dma_start3A_484 = arith.constant 0 : i32
    %dma_start3A_485 = tpu.memref_slice %arg8[%dma_start3A_483, %dma_start3A_484] : memref<8x32xi32, #tpu.memory_space<vmem>> -> memref<1x32xi32, #tpu.memory_space<vmem>>
    %dma_start3A_486 = tpu.memref_squeeze %dma_start3A_485 : memref<1x32xi32, #tpu.memory_space<vmem>> -> memref<32xi32, #tpu.memory_space<vmem>>
    %dma_start3A_487 = arith.constant 0 : i32
    %dma_start3A_488 = arith.constant 0 : i32
    %dma_start3A_489 = tpu.memref_slice %arg4[%dma_start3A_487, %dma_start3A_488] : memref<1200x1024xf32, #tpu.memory_space<hbm>> -> memref<1200x1024xf32, #tpu.memory_space<hbm>>
    tpu.enqueue_indirect_dma source(%dma_start3A_489 : memref<1200x1024xf32, #tpu.memory_space<hbm>>) target(%arg11 : memref<32x1024xf32, #tpu.memory_space<vmem>>) offsets(%dma_start3A_486 : memref<32xi32, #tpu.memory_space<vmem>>) semaphore(%arg14 : memref<!tpu.dma_semaphore, #tpu.memory_space<semaphore_mem>>)
    %dma_wait3A_490 = arith.constant 1 : i32
    %dma_wait3A_491 = arith.constant 0 : i32
    %dma_wait3A_492 = tpu.memref_slice %arg8[%dma_wait3A_490, %dma_wait3A_491] : memref<8x32xi32, #tpu.memory_space<vmem>> -> memref<1x32xi32, #tpu.memory_space<vmem>>
    %dma_wait3A_493 = tpu.memref_squeeze %dma_wait3A_492 : memref<1x32xi32, #tpu.memory_space<vmem>> -> memref<32xi32, #tpu.memory_space<vmem>>
    %dma_wait3A_494 = arith.constant 0 : i32
    %dma_wait3A_495 = arith.constant 0 : i32
    %dma_wait3A_496 = tpu.memref_slice %arg4[%dma_wait3A_494, %dma_wait3A_495] : memref<1200x1024xf32, #tpu.memory_space<hbm>> -> memref<1200x1024xf32, #tpu.memory_space<hbm>>
    tpu.wait_indirect_dma semaphore(%arg13 : memref<!tpu.dma_semaphore, #tpu.memory_space<semaphore_mem>>) src(%dma_wait3A_496 : memref<1200x1024xf32, #tpu.memory_space<hbm>>) dst(%arg10 : memref<32x1024xf32, #tpu.memory_space<vmem>>)
    %add3A_497 = arith.constant 32 : i32
    %add3A_498 = arith.addi %mul3A_2, %add3A_497 : i32
    %dma_start3A_499 = arith.constant 0 : i32
    %dma_start3A_500 = arith.constant 0 : i32
    %dma_start3A_501 = tpu.memref_slice %arg5[%add3A_498, %dma_start3A_499, %dma_start3A_500] : memref<8192x1x1024xf32, #tpu.memory_space<hbm>> -> memref<32x1x1024xf32, #tpu.memory_space<hbm>>
    %dma_start3A_502 = tpu.memref_squeeze %dma_start3A_501 : memref<32x1x1024xf32, #tpu.memory_space<hbm>> -> memref<32x1024xf32, #tpu.memory_space<hbm>>
    %dma_start3A_503 = arith.constant 0 : i32
    %dma_start3A_504 = tpu.memref_slice %arg5[%add3A_498, %dma_start3A_499, %dma_start3A_503] : memref<8192x1x1024xf32, #tpu.memory_space<hbm>> -> memref<32x1x1024xf32, #tpu.memory_space<hbm>>
    %dma_start3A_505 = tpu.memref_squeeze %dma_start3A_504 : memref<32x1x1024xf32, #tpu.memory_space<hbm>> -> memref<32x1024xf32, #tpu.memory_space<hbm>>
    tpu.enqueue_dma source(%arg10 : memref<32x1024xf32, #tpu.memory_space<vmem>>) target(%dma_start3A_505 : memref<32x1024xf32, #tpu.memory_space<hbm>>) target_semaphore(%arg16 : memref<!tpu.dma_semaphore, #tpu.memory_space<semaphore_mem>>)
    %dma_wait3A_506 = arith.constant 0 : i32
    %dma_wait3A_507 = arith.constant 0 : i32
    %dma_wait3A_508 = tpu.memref_slice %arg5[%add3A_475, %dma_wait3A_506, %dma_wait3A_507] : memref<8192x1x1024xf32, #tpu.memory_space<hbm>> -> memref<32x1x1024xf32, #tpu.memory_space<hbm>>
    %dma_wait3A_509 = tpu.memref_squeeze %dma_wait3A_508 : memref<32x1x1024xf32, #tpu.memory_space<hbm>> -> memref<32x1024xf32, #tpu.memory_space<hbm>>
    %dma_wait3A_510 = arith.constant 0 : i32
    %dma_wait3A_511 = tpu.memref_slice %arg5[%add3A_475, %dma_wait3A_506, %dma_wait3A_510] : memref<8192x1x1024xf32, #tpu.memory_space<hbm>> -> memref<32x1x1024xf32, #tpu.memory_space<hbm>>
    %dma_wait3A_512 = tpu.memref_squeeze %dma_wait3A_511 : memref<32x1x1024xf32, #tpu.memory_space<hbm>> -> memref<32x1024xf32, #tpu.memory_space<hbm>>
    tpu.wait_dma2 semaphore(%arg15 : memref<!tpu.dma_semaphore, #tpu.memory_space<semaphore_mem>>) src(%arg9 : memref<32x1024xf32, #tpu.memory_space<vmem>>) dst(%dma_wait3A_512 : memref<32x1024xf32, #tpu.memory_space<hbm>>)
    %dma_start3A_513 = arith.constant 3 : i32
    %dma_start3A_514 = arith.constant 0 : i32
    %dma_start3A_515 = tpu.memref_slice %arg8[%dma_start3A_513, %dma_start3A_514] : memref<8x32xi32, #tpu.memory_space<vmem>> -> memref<1x32xi32, #tpu.memory_space<vmem>>
    %dma_start3A_516 = tpu.memref_squeeze %dma_start3A_515 : memref<1x32xi32, #tpu.memory_space<vmem>> -> memref<32xi32, #tpu.memory_space<vmem>>
    %dma_start3A_517 = arith.constant 0 : i32
    %dma_start3A_518 = arith.constant 0 : i32
    %dma_start3A_519 = tpu.memref_slice %arg4[%dma_start3A_517, %dma_start3A_518] : memref<1200x1024xf32, #tpu.memory_space<hbm>> -> memref<1200x1024xf32, #tpu.memory_space<hbm>>
    tpu.enqueue_indirect_dma source(%dma_start3A_519 : memref<1200x1024xf32, #tpu.memory_space<hbm>>) target(%arg9 : memref<32x1024xf32, #tpu.memory_space<vmem>>) offsets(%dma_start3A_516 : memref<32xi32, #tpu.memory_space<vmem>>) semaphore(%arg12 : memref<!tpu.dma_semaphore, #tpu.memory_space<semaphore_mem>>)
    %dma_wait3A_520 = arith.constant 2 : i32
    %dma_wait3A_521 = arith.constant 0 : i32
    %dma_wait3A_522 = tpu.memref_slice %arg8[%dma_wait3A_520, %dma_wait3A_521] : memref<8x32xi32, #tpu.memory_space<vmem>> -> memref<1x32xi32, #tpu.memory_space<vmem>>
    %dma_wait3A_523 = tpu.memref_squeeze %dma_wait3A_522 : memref<1x32xi32, #tpu.memory_space<vmem>> -> memref<32xi32, #tpu.memory_space<vmem>>
    %dma_wait3A_524 = arith.constant 0 : i32
    %dma_wait3A_525 = arith.constant 0 : i32
    %dma_wait3A_526 = tpu.memref_slice %arg4[%dma_wait3A_524, %dma_wait3A_525] : memref<1200x1024xf32, #tpu.memory_space<hbm>> -> memref<1200x1024xf32, #tpu.memory_space<hbm>>
    tpu.wait_indirect_dma semaphore(%arg14 : memref<!tpu.dma_semaphore, #tpu.memory_space<semaphore_mem>>) src(%dma_wait3A_526 : memref<1200x1024xf32, #tpu.memory_space<hbm>>) dst(%arg11 : memref<32x1024xf32, #tpu.memory_space<vmem>>)
    %add3A_527 = arith.constant 64 : i32
    %add3A_528 = arith.addi %mul3A_2, %add3A_527 : i32
    %dma_start3A_529 = arith.constant 0 : i32
    %dma_start3A_530 = arith.constant 0 : i32
    %dma_start3A_531 = tpu.memref_slice %arg5[%add3A_528, %dma_start3A_529, %dma_start3A_530] : memref<8192x1x1024xf32, #tpu.memory_space<hbm>> -> memref<32x1x1024xf32, #tpu.memory_space<hbm>>
    %dma_start3A_532 = tpu.memref_squeeze %dma_start3A_531 : memref<32x1x1024xf32, #tpu.memory_space<hbm>> -> memref<32x1024xf32, #tpu.memory_space<hbm>>
    %dma_start3A_533 = arith.constant 0 : i32
    %dma_start3A_534 = tpu.memref_slice %arg5[%add3A_528, %dma_start3A_529, %dma_start3A_533] : memref<8192x1x1024xf32, #tpu.memory_space<hbm>> -> memref<32x1x1024xf32, #tpu.memory_space<hbm>>
    %dma_start3A_535 = tpu.memref_squeeze %dma_start3A_534 : memref<32x1x1024xf32, #tpu.memory_space<hbm>> -> memref<32x1024xf32, #tpu.memory_space<hbm>>
    tpu.enqueue_dma source(%arg11 : memref<32x1024xf32, #tpu.memory_space<vmem>>) target(%dma_start3A_535 : memref<32x1024xf32, #tpu.memory_space<hbm>>) target_semaphore(%arg17 : memref<!tpu.dma_semaphore, #tpu.memory_space<semaphore_mem>>)
    %dma_wait3A_536 = arith.constant 0 : i32
    %dma_wait3A_537 = arith.constant 0 : i32
    %dma_wait3A_538 = tpu.memref_slice %arg5[%add3A_498, %dma_wait3A_536, %dma_wait3A_537] : memref<8192x1x1024xf32, #tpu.memory_space<hbm>> -> memref<32x1x1024xf32, #tpu.memory_space<hbm>>
    %dma_wait3A_539 = tpu.memref_squeeze %dma_wait3A_538 : memref<32x1x1024xf32, #tpu.memory_space<hbm>> -> memref<32x1024xf32, #tpu.memory_space<hbm>>
    %dma_wait3A_540 = arith.constant 0 : i32
    %dma_wait3A_541 = tpu.memref_slice %arg5[%add3A_498, %dma_wait3A_536, %dma_wait3A_540] : memref<8192x1x1024xf32, #tpu.memory_space<hbm>> -> memref<32x1x1024xf32, #tpu.memory_space<hbm>>
    %dma_wait3A_542 = tpu.memref_squeeze %dma_wait3A_541 : memref<32x1x1024xf32, #tpu.memory_space<hbm>> -> memref<32x1024xf32, #tpu.memory_space<hbm>>
    tpu.wait_dma2 semaphore(%arg16 : memref<!tpu.dma_semaphore, #tpu.memory_space<semaphore_mem>>) src(%arg10 : memref<32x1024xf32, #tpu.memory_space<vmem>>) dst(%dma_wait3A_542 : memref<32x1024xf32, #tpu.memory_space<hbm>>)
    %dma_start3A_543 = arith.constant 4 : i32
    %dma_start3A_544 = arith.constant 0 : i32
    %dma_start3A_545 = tpu.memref_slice %arg8[%dma_start3A_543, %dma_start3A_544] : memref<8x32xi32, #tpu.memory_space<vmem>> -> memref<1x32xi32, #tpu.memory_space<vmem>>
    %dma_start3A_546 = tpu.memref_squeeze %dma_start3A_545 : memref<1x32xi32, #tpu.memory_space<vmem>> -> memref<32xi32, #tpu.memory_space<vmem>>
    %dma_start3A_547 = arith.constant 0 : i32
    %dma_start3A_548 = arith.constant 0 : i32
    %dma_start3A_549 = tpu.memref_slice %arg4[%dma_start3A_547, %dma_start3A_548] : memref<1200x1024xf32, #tpu.memory_space<hbm>> -> memref<1200x1024xf32, #tpu.memory_space<hbm>>
    tpu.enqueue_indirect_dma source(%dma_start3A_549 : memref<1200x1024xf32, #tpu.memory_space<hbm>>) target(%arg10 : memref<32x1024xf32, #tpu.memory_space<vmem>>) offsets(%dma_start3A_546 : memref<32xi32, #tpu.memory_space<vmem>>) semaphore(%arg13 : memref<!tpu.dma_semaphore, #tpu.memory_space<semaphore_mem>>)
    %dma_wait3A_550 = arith.constant 3 : i32
    %dma_wait3A_551 = arith.constant 0 : i32
    %dma_wait3A_552 = tpu.memref_slice %arg8[%dma_wait3A_550, %dma_wait3A_551] : memref<8x32xi32, #tpu.memory_space<vmem>> -> memref<1x32xi32, #tpu.memory_space<vmem>>
    %dma_wait3A_553 = tpu.memref_squeeze %dma_wait3A_552 : memref<1x32xi32, #tpu.memory_space<vmem>> -> memref<32xi32, #tpu.memory_space<vmem>>
    %dma_wait3A_554 = arith.constant 0 : i32
    %dma_wait3A_555 = arith.constant 0 : i32
    %dma_wait3A_556 = tpu.memref_slice %arg4[%dma_wait3A_554, %dma_wait3A_555] : memref<1200x1024xf32, #tpu.memory_space<hbm>> -> memref<1200x1024xf32, #tpu.memory_space<hbm>>
    tpu.wait_indirect_dma semaphore(%arg12 : memref<!tpu.dma_semaphore, #tpu.memory_space<semaphore_mem>>) src(%dma_wait3A_556 : memref<1200x1024xf32, #tpu.memory_space<hbm>>) dst(%arg9 : memref<32x1024xf32, #tpu.memory_space<vmem>>)
    %add3A_557 = arith.constant 96 : i32
    %add3A_558 = arith.addi %mul3A_2, %add3A_557 : i32
    %dma_start3A_559 = arith.constant 0 : i32
    %dma_start3A_560 = arith.constant 0 : i32
    %dma_start3A_561 = tpu.memref_slice %arg5[%add3A_558, %dma_start3A_559, %dma_start3A_560] : memref<8192x1x1024xf32, #tpu.memory_space<hbm>> -> memref<32x1x1024xf32, #tpu.memory_space<hbm>>
    %dma_start3A_562 = tpu.memref_squeeze %dma_start3A_561 : memref<32x1x1024xf32, #tpu.memory_space<hbm>> -> memref<32x1024xf32, #tpu.memory_space<hbm>>
    %dma_start3A_563 = arith.constant 0 : i32
    %dma_start3A_564 = tpu.memref_slice %arg5[%add3A_558, %dma_start3A_559, %dma_start3A_563] : memref<8192x1x1024xf32, #tpu.memory_space<hbm>> -> memref<32x1x1024xf32, #tpu.memory_space<hbm>>
    %dma_start3A_565 = tpu.memref_squeeze %dma_start3A_564 : memref<32x1x1024xf32, #tpu.memory_space<hbm>> -> memref<32x1024xf32, #tpu.memory_space<hbm>>
    tpu.enqueue_dma source(%arg9 : memref<32x1024xf32, #tpu.memory_space<vmem>>) target(%dma_start3A_565 : memref<32x1024xf32, #tpu.memory_space<hbm>>) target_semaphore(%arg15 : memref<!tpu.dma_semaphore, #tpu.memory_space<semaphore_mem>>)
    %dma_wait3A_566 = arith.constant 0 : i32
    %dma_wait3A_567 = arith.constant 0 : i32
    %dma_wait3A_568 = tpu.memref_slice %arg5[%add3A_528, %dma_wait3A_566, %dma_wait3A_567] : memref<8192x1x1024xf32, #tpu.memory_space<hbm>> -> memref<32x1x1024xf32, #tpu.memory_space<hbm>>
    %dma_wait3A_569 = tpu.memref_squeeze %dma_wait3A_568 : memref<32x1x1024xf32, #tpu.memory_space<hbm>> -> memref<32x1024xf32, #tpu.memory_space<hbm>>
    %dma_wait3A_570 = arith.constant 0 : i32
    %dma_wait3A_571 = tpu.memref_slice %arg5[%add3A_528, %dma_wait3A_566, %dma_wait3A_570] : memref<8192x1x1024xf32, #tpu.memory_space<hbm>> -> memref<32x1x1024xf32, #tpu.memory_space<hbm>>
    %dma_wait3A_572 = tpu.memref_squeeze %dma_wait3A_571 : memref<32x1x1024xf32, #tpu.memory_space<hbm>> -> memref<32x1024xf32, #tpu.memory_space<hbm>>
    tpu.wait_dma2 semaphore(%arg17 : memref<!tpu.dma_semaphore, #tpu.memory_space<semaphore_mem>>) src(%arg11 : memref<32x1024xf32, #tpu.memory_space<vmem>>) dst(%dma_wait3A_572 : memref<32x1024xf32, #tpu.memory_space<hbm>>)
    %dma_start3A_573 = arith.constant 5 : i32
    %dma_start3A_574 = arith.constant 0 : i32
    %dma_start3A_575 = tpu.memref_slice %arg8[%dma_start3A_573, %dma_start3A_574] : memref<8x32xi32, #tpu.memory_space<vmem>> -> memref<1x32xi32, #tpu.memory_space<vmem>>
    %dma_start3A_576 = tpu.memref_squeeze %dma_start3A_575 : memref<1x32xi32, #tpu.memory_space<vmem>> -> memref<32xi32, #tpu.memory_space<vmem>>
    %dma_start3A_577 = arith.constant 0 : i32
    %dma_start3A_578 = arith.constant 0 : i32
    %dma_start3A_579 = tpu.memref_slice %arg4[%dma_start3A_577, %dma_start3A_578] : memref<1200x1024xf32, #tpu.memory_space<hbm>> -> memref<1200x1024xf32, #tpu.memory_space<hbm>>
    tpu.enqueue_indirect_dma source(%dma_start3A_579 : memref<1200x1024xf32, #tpu.memory_space<hbm>>) target(%arg11 : memref<32x1024xf32, #tpu.memory_space<vmem>>) offsets(%dma_start3A_576 : memref<32xi32, #tpu.memory_space<vmem>>) semaphore(%arg14 : memref<!tpu.dma_semaphore, #tpu.memory_space<semaphore_mem>>)
    %dma_wait3A_580 = arith.constant 4 : i32
    %dma_wait3A_581 = arith.constant 0 : i32
    %dma_wait3A_582 = tpu.memref_slice %arg8[%dma_wait3A_580, %dma_wait3A_581] : memref<8x32xi32, #tpu.memory_space<vmem>> -> memref<1x32xi32, #tpu.memory_space<vmem>>
    %dma_wait3A_583 = tpu.memref_squeeze %dma_wait3A_582 : memref<1x32xi32, #tpu.memory_space<vmem>> -> memref<32xi32, #tpu.memory_space<vmem>>
    %dma_wait3A_584 = arith.constant 0 : i32
    %dma_wait3A_585 = arith.constant 0 : i32
    %dma_wait3A_586 = tpu.memref_slice %arg4[%dma_wait3A_584, %dma_wait3A_585] : memref<1200x1024xf32, #tpu.memory_space<hbm>> -> memref<1200x1024xf32, #tpu.memory_space<hbm>>
    tpu.wait_indirect_dma semaphore(%arg13 : memref<!tpu.dma_semaphore, #tpu.memory_space<semaphore_mem>>) src(%dma_wait3A_586 : memref<1200x1024xf32, #tpu.memory_space<hbm>>) dst(%arg10 : memref<32x1024xf32, #tpu.memory_space<vmem>>)
    %add3A_587 = arith.constant 128 : i32
    %add3A_588 = arith.addi %mul3A_2, %add3A_587 : i32
    %dma_start3A_589 = arith.constant 0 : i32
    %dma_start3A_590 = arith.constant 0 : i32
    %dma_start3A_591 = tpu.memref_slice %arg5[%add3A_588, %dma_start3A_589, %dma_start3A_590] : memref<8192x1x1024xf32, #tpu.memory_space<hbm>> -> memref<32x1x1024xf32, #tpu.memory_space<hbm>>
    %dma_start3A_592 = tpu.memref_squeeze %dma_start3A_591 : memref<32x1x1024xf32, #tpu.memory_space<hbm>> -> memref<32x1024xf32, #tpu.memory_space<hbm>>
    %dma_start3A_593 = arith.constant 0 : i32
    %dma_start3A_594 = tpu.memref_slice %arg5[%add3A_588, %dma_start3A_589, %dma_start3A_593] : memref<8192x1x1024xf32, #tpu.memory_space<hbm>> -> memref<32x1x1024xf32, #tpu.memory_space<hbm>>
    %dma_start3A_595 = tpu.memref_squeeze %dma_start3A_594 : memref<32x1x1024xf32, #tpu.memory_space<hbm>> -> memref<32x1024xf32, #tpu.memory_space<hbm>>
    tpu.enqueue_dma source(%arg10 : memref<32x1024xf32, #tpu.memory_space<vmem>>) target(%dma_start3A_595 : memref<32x1024xf32, #tpu.memory_space<hbm>>) target_semaphore(%arg16 : memref<!tpu.dma_semaphore, #tpu.memory_space<semaphore_mem>>)
    %dma_wait3A_596 = arith.constant 0 : i32
    %dma_wait3A_597 = arith.constant 0 : i32
    %dma_wait3A_598 = tpu.memref_slice %arg5[%add3A_558, %dma_wait3A_596, %dma_wait3A_597] : memref<8192x1x1024xf32, #tpu.memory_space<hbm>> -> memref<32x1x1024xf32, #tpu.memory_space<hbm>>
    %dma_wait3A_599 = tpu.memref_squeeze %dma_wait3A_598 : memref<32x1x1024xf32, #tpu.memory_space<hbm>> -> memref<32x1024xf32, #tpu.memory_space<hbm>>
    %dma_wait3A_600 = arith.constant 0 : i32
    %dma_wait3A_601 = tpu.memref_slice %arg5[%add3A_558, %dma_wait3A_596, %dma_wait3A_600] : memref<8192x1x1024xf32, #tpu.memory_space<hbm>> -> memref<32x1x1024xf32, #tpu.memory_space<hbm>>
    %dma_wait3A_602 = tpu.memref_squeeze %dma_wait3A_601 : memref<32x1x1024xf32, #tpu.memory_space<hbm>> -> memref<32x1024xf32, #tpu.memory_space<hbm>>
    tpu.wait_dma2 semaphore(%arg15 : memref<!tpu.dma_semaphore, #tpu.memory_space<semaphore_mem>>) src(%arg9 : memref<32x1024xf32, #tpu.memory_space<vmem>>) dst(%dma_wait3A_602 : memref<32x1024xf32, #tpu.memory_space<hbm>>)
    %dma_start3A_603 = arith.constant 6 : i32
    %dma_start3A_604 = arith.constant 0 : i32
    %dma_start3A_605 = tpu.memref_slice %arg8[%dma_start3A_603, %dma_start3A_604] : memref<8x32xi32, #tpu.memory_space<vmem>> -> memref<1x32xi32, #tpu.memory_space<vmem>>
    %dma_start3A_606 = tpu.memref_squeeze %dma_start3A_605 : memref<1x32xi32, #tpu.memory_space<vmem>> -> memref<32xi32, #tpu.memory_space<vmem>>
    %dma_start3A_607 = arith.constant 0 : i32
    %dma_start3A_608 = arith.constant 0 : i32
    %dma_start3A_609 = tpu.memref_slice %arg4[%dma_start3A_607, %dma_start3A_608] : memref<1200x1024xf32, #tpu.memory_space<hbm>> -> memref<1200x1024xf32, #tpu.memory_space<hbm>>
    tpu.enqueue_indirect_dma source(%dma_start3A_609 : memref<1200x1024xf32, #tpu.memory_space<hbm>>) target(%arg9 : memref<32x1024xf32, #tpu.memory_space<vmem>>) offsets(%dma_start3A_606 : memref<32xi32, #tpu.memory_space<vmem>>) semaphore(%arg12 : memref<!tpu.dma_semaphore, #tpu.memory_space<semaphore_mem>>)
    %dma_wait3A_610 = arith.constant 5 : i32
    %dma_wait3A_611 = arith.constant 0 : i32
    %dma_wait3A_612 = tpu.memref_slice %arg8[%dma_wait3A_610, %dma_wait3A_611] : memref<8x32xi32, #tpu.memory_space<vmem>> -> memref<1x32xi32, #tpu.memory_space<vmem>>
    %dma_wait3A_613 = tpu.memref_squeeze %dma_wait3A_612 : memref<1x32xi32, #tpu.memory_space<vmem>> -> memref<32xi32, #tpu.memory_space<vmem>>
    %dma_wait3A_614 = arith.constant 0 : i32
    %dma_wait3A_615 = arith.constant 0 : i32
    %dma_wait3A_616 = tpu.memref_slice %arg4[%dma_wait3A_614, %dma_wait3A_615] : memref<1200x1024xf32, #tpu.memory_space<hbm>> -> memref<1200x1024xf32, #tpu.memory_space<hbm>>
    tpu.wait_indirect_dma semaphore(%arg14 : memref<!tpu.dma_semaphore, #tpu.memory_space<semaphore_mem>>) src(%dma_wait3A_616 : memref<1200x1024xf32, #tpu.memory_space<hbm>>) dst(%arg11 : memref<32x1024xf32, #tpu.memory_space<vmem>>)
    %add3A_617 = arith.constant 160 : i32
    %add3A_618 = arith.addi %mul3A_2, %add3A_617 : i32
    %dma_start3A_619 = arith.constant 0 : i32
    %dma_start3A_620 = arith.constant 0 : i32
    %dma_start3A_621 = tpu.memref_slice %arg5[%add3A_618, %dma_start3A_619, %dma_start3A_620] : memref<8192x1x1024xf32, #tpu.memory_space<hbm>> -> memref<32x1x1024xf32, #tpu.memory_space<hbm>>
    %dma_start3A_622 = tpu.memref_squeeze %dma_start3A_621 : memref<32x1x1024xf32, #tpu.memory_space<hbm>> -> memref<32x1024xf32, #tpu.memory_space<hbm>>
    %dma_start3A_623 = arith.constant 0 : i32
    %dma_start3A_624 = tpu.memref_slice %arg5[%add3A_618, %dma_start3A_619, %dma_start3A_623] : memref<8192x1x1024xf32, #tpu.memory_space<hbm>> -> memref<32x1x1024xf32, #tpu.memory_space<hbm>>
    %dma_start3A_625 = tpu.memref_squeeze %dma_start3A_624 : memref<32x1x1024xf32, #tpu.memory_space<hbm>> -> memref<32x1024xf32, #tpu.memory_space<hbm>>
    tpu.enqueue_dma source(%arg11 : memref<32x1024xf32, #tpu.memory_space<vmem>>) target(%dma_start3A_625 : memref<32x1024xf32, #tpu.memory_space<hbm>>) target_semaphore(%arg17 : memref<!tpu.dma_semaphore, #tpu.memory_space<semaphore_mem>>)
    %dma_wait3A_626 = arith.constant 0 : i32
    %dma_wait3A_627 = arith.constant 0 : i32
    %dma_wait3A_628 = tpu.memref_slice %arg5[%add3A_588, %dma_wait3A_626, %dma_wait3A_627] : memref<8192x1x1024xf32, #tpu.memory_space<hbm>> -> memref<32x1x1024xf32, #tpu.memory_space<hbm>>
    %dma_wait3A_629 = tpu.memref_squeeze %dma_wait3A_628 : memref<32x1x1024xf32, #tpu.memory_space<hbm>> -> memref<32x1024xf32, #tpu.memory_space<hbm>>
    %dma_wait3A_630 = arith.constant 0 : i32
    %dma_wait3A_631 = tpu.memref_slice %arg5[%add3A_588, %dma_wait3A_626, %dma_wait3A_630] : memref<8192x1x1024xf32, #tpu.memory_space<hbm>> -> memref<32x1x1024xf32, #tpu.memory_space<hbm>>
    %dma_wait3A_632 = tpu.memref_squeeze %dma_wait3A_631 : memref<32x1x1024xf32, #tpu.memory_space<hbm>> -> memref<32x1024xf32, #tpu.memory_space<hbm>>
    tpu.wait_dma2 semaphore(%arg16 : memref<!tpu.dma_semaphore, #tpu.memory_space<semaphore_mem>>) src(%arg10 : memref<32x1024xf32, #tpu.memory_space<vmem>>) dst(%dma_wait3A_632 : memref<32x1024xf32, #tpu.memory_space<hbm>>)
    %dma_start3A_633 = arith.constant 7 : i32
    %dma_start3A_634 = arith.constant 0 : i32
    %dma_start3A_635 = tpu.memref_slice %arg8[%dma_start3A_633, %dma_start3A_634] : memref<8x32xi32, #tpu.memory_space<vmem>> -> memref<1x32xi32, #tpu.memory_space<vmem>>
    %dma_start3A_636 = tpu.memref_squeeze %dma_start3A_635 : memref<1x32xi32, #tpu.memory_space<vmem>> -> memref<32xi32, #tpu.memory_space<vmem>>
    %dma_start3A_637 = arith.constant 0 : i32
    %dma_start3A_638 = arith.constant 0 : i32
    %dma_start3A_639 = tpu.memref_slice %arg4[%dma_start3A_637, %dma_start3A_638] : memref<1200x1024xf32, #tpu.memory_space<hbm>> -> memref<1200x1024xf32, #tpu.memory_space<hbm>>
    tpu.enqueue_indirect_dma source(%dma_start3A_639 : memref<1200x1024xf32, #tpu.memory_space<hbm>>) target(%arg10 : memref<32x1024xf32, #tpu.memory_space<vmem>>) offsets(%dma_start3A_636 : memref<32xi32, #tpu.memory_space<vmem>>) semaphore(%arg13 : memref<!tpu.dma_semaphore, #tpu.memory_space<semaphore_mem>>)
    %dma_wait3A_640 = arith.constant 6 : i32
    %dma_wait3A_641 = arith.constant 0 : i32
    %dma_wait3A_642 = tpu.memref_slice %arg8[%dma_wait3A_640, %dma_wait3A_641] : memref<8x32xi32, #tpu.memory_space<vmem>> -> memref<1x32xi32, #tpu.memory_space<vmem>>
    %dma_wait3A_643 = tpu.memref_squeeze %dma_wait3A_642 : memref<1x32xi32, #tpu.memory_space<vmem>> -> memref<32xi32, #tpu.memory_space<vmem>>
    %dma_wait3A_644 = arith.constant 0 : i32
    %dma_wait3A_645 = arith.constant 0 : i32
    %dma_wait3A_646 = tpu.memref_slice %arg4[%dma_wait3A_644, %dma_wait3A_645] : memref<1200x1024xf32, #tpu.memory_space<hbm>> -> memref<1200x1024xf32, #tpu.memory_space<hbm>>
    tpu.wait_indirect_dma semaphore(%arg12 : memref<!tpu.dma_semaphore, #tpu.memory_space<semaphore_mem>>) src(%dma_wait3A_646 : memref<1200x1024xf32, #tpu.memory_space<hbm>>) dst(%arg9 : memref<32x1024xf32, #tpu.memory_space<vmem>>)
    %add3A_647 = arith.constant 192 : i32
    %add3A_648 = arith.addi %mul3A_2, %add3A_647 : i32
    %dma_start3A_649 = arith.constant 0 : i32
    %dma_start3A_650 = arith.constant 0 : i32
    %dma_start3A_651 = tpu.memref_slice %arg5[%add3A_648, %dma_start3A_649, %dma_start3A_650] : memref<8192x1x1024xf32, #tpu.memory_space<hbm>> -> memref<32x1x1024xf32, #tpu.memory_space<hbm>>
    %dma_start3A_652 = tpu.memref_squeeze %dma_start3A_651 : memref<32x1x1024xf32, #tpu.memory_space<hbm>> -> memref<32x1024xf32, #tpu.memory_space<hbm>>
    %dma_start3A_653 = arith.constant 0 : i32
    %dma_start3A_654 = tpu.memref_slice %arg5[%add3A_648, %dma_start3A_649, %dma_start3A_653] : memref<8192x1x1024xf32, #tpu.memory_space<hbm>> -> memref<32x1x1024xf32, #tpu.memory_space<hbm>>
    %dma_start3A_655 = tpu.memref_squeeze %dma_start3A_654 : memref<32x1x1024xf32, #tpu.memory_space<hbm>> -> memref<32x1024xf32, #tpu.memory_space<hbm>>
    tpu.enqueue_dma source(%arg9 : memref<32x1024xf32, #tpu.memory_space<vmem>>) target(%dma_start3A_655 : memref<32x1024xf32, #tpu.memory_space<hbm>>) target_semaphore(%arg15 : memref<!tpu.dma_semaphore, #tpu.memory_space<semaphore_mem>>)
    %dma_wait3A_656 = arith.constant 7 : i32
    %dma_wait3A_657 = arith.constant 0 : i32
    %dma_wait3A_658 = tpu.memref_slice %arg8[%dma_wait3A_656, %dma_wait3A_657] : memref<8x32xi32, #tpu.memory_space<vmem>> -> memref<1x32xi32, #tpu.memory_space<vmem>>
    %dma_wait3A_659 = tpu.memref_squeeze %dma_wait3A_658 : memref<1x32xi32, #tpu.memory_space<vmem>> -> memref<32xi32, #tpu.memory_space<vmem>>
    %dma_wait3A_660 = arith.constant 0 : i32
    %dma_wait3A_661 = arith.constant 0 : i32
    %dma_wait3A_662 = tpu.memref_slice %arg4[%dma_wait3A_660, %dma_wait3A_661] : memref<1200x1024xf32, #tpu.memory_space<hbm>> -> memref<1200x1024xf32, #tpu.memory_space<hbm>>
    tpu.wait_indirect_dma semaphore(%arg13 : memref<!tpu.dma_semaphore, #tpu.memory_space<semaphore_mem>>) src(%dma_wait3A_662 : memref<1200x1024xf32, #tpu.memory_space<hbm>>) dst(%arg10 : memref<32x1024xf32, #tpu.memory_space<vmem>>)
    %add3A_663 = arith.constant 224 : i32
    %add3A_664 = arith.addi %mul3A_2, %add3A_663 : i32
    %dma_start3A_665 = arith.constant 0 : i32
    %dma_start3A_666 = arith.constant 0 : i32
    %dma_start3A_667 = tpu.memref_slice %arg5[%add3A_664, %dma_start3A_665, %dma_start3A_666] : memref<8192x1x1024xf32, #tpu.memory_space<hbm>> -> memref<32x1x1024xf32, #tpu.memory_space<hbm>>
    %dma_start3A_668 = tpu.memref_squeeze %dma_start3A_667 : memref<32x1x1024xf32, #tpu.memory_space<hbm>> -> memref<32x1024xf32, #tpu.memory_space<hbm>>
    %dma_start3A_669 = arith.constant 0 : i32
    %dma_start3A_670 = tpu.memref_slice %arg5[%add3A_664, %dma_start3A_665, %dma_start3A_669] : memref<8192x1x1024xf32, #tpu.memory_space<hbm>> -> memref<32x1x1024xf32, #tpu.memory_space<hbm>>
    %dma_start3A_671 = tpu.memref_squeeze %dma_start3A_670 : memref<32x1x1024xf32, #tpu.memory_space<hbm>> -> memref<32x1024xf32, #tpu.memory_space<hbm>>
    tpu.enqueue_dma source(%arg10 : memref<32x1024xf32, #tpu.memory_space<vmem>>) target(%dma_start3A_671 : memref<32x1024xf32, #tpu.memory_space<hbm>>) target_semaphore(%arg16 : memref<!tpu.dma_semaphore, #tpu.memory_space<semaphore_mem>>)
    %dma_wait3A_672 = arith.constant 0 : i32
    %dma_wait3A_673 = arith.constant 0 : i32
    %dma_wait3A_674 = tpu.memref_slice %arg5[%add3A_648, %dma_wait3A_672, %dma_wait3A_673] : memref<8192x1x1024xf32, #tpu.memory_space<hbm>> -> memref<32x1x1024xf32, #tpu.memory_space<hbm>>
    %dma_wait3A_675 = tpu.memref_squeeze %dma_wait3A_674 : memref<32x1x1024xf32, #tpu.memory_space<hbm>> -> memref<32x1024xf32, #tpu.memory_space<hbm>>
    %dma_wait3A_676 = arith.constant 0 : i32
    %dma_wait3A_677 = tpu.memref_slice %arg5[%add3A_648, %dma_wait3A_672, %dma_wait3A_676] : memref<8192x1x1024xf32, #tpu.memory_space<hbm>> -> memref<32x1x1024xf32, #tpu.memory_space<hbm>>
    %dma_wait3A_678 = tpu.memref_squeeze %dma_wait3A_677 : memref<32x1x1024xf32, #tpu.memory_space<hbm>> -> memref<32x1024xf32, #tpu.memory_space<hbm>>
    tpu.wait_dma2 semaphore(%arg15 : memref<!tpu.dma_semaphore, #tpu.memory_space<semaphore_mem>>) src(%arg9 : memref<32x1024xf32, #tpu.memory_space<vmem>>) dst(%dma_wait3A_678 : memref<32x1024xf32, #tpu.memory_space<hbm>>)
    %dma_wait3A_679 = arith.constant 0 : i32
    %dma_wait3A_680 = arith.constant 0 : i32
    %dma_wait3A_681 = tpu.memref_slice %arg5[%add3A_664, %dma_wait3A_679, %dma_wait3A_680] : memref<8192x1x1024xf32, #tpu.memory_space<hbm>> -> memref<32x1x1024xf32, #tpu.memory_space<hbm>>
    %dma_wait3A_682 = tpu.memref_squeeze %dma_wait3A_681 : memref<32x1x1024xf32, #tpu.memory_space<hbm>> -> memref<32x1024xf32, #tpu.memory_space<hbm>>
    %dma_wait3A_683 = arith.constant 0 : i32
    %dma_wait3A_684 = tpu.memref_slice %arg5[%add3A_664, %dma_wait3A_679, %dma_wait3A_683] : memref<8192x1x1024xf32, #tpu.memory_space<hbm>> -> memref<32x1x1024xf32, #tpu.memory_space<hbm>>
    %dma_wait3A_685 = tpu.memref_squeeze %dma_wait3A_684 : memref<32x1x1024xf32, #tpu.memory_space<hbm>> -> memref<32x1024xf32, #tpu.memory_space<hbm>>
    tpu.wait_dma2 semaphore(%arg16 : memref<!tpu.dma_semaphore, #tpu.memory_space<semaphore_mem>>) src(%arg10 : memref<32x1024xf32, #tpu.memory_space<vmem>>) dst(%dma_wait3A_685 : memref<32x1024xf32, #tpu.memory_space<hbm>>)
    %dma_wait3A_686 = arith.constant 0 : i32
    %dma_wait3A_687 = arith.constant 0 : i32
    %dma_wait3A_688 = tpu.memref_slice %arg5[%add3A_618, %dma_wait3A_686, %dma_wait3A_687] : memref<8192x1x1024xf32, #tpu.memory_space<hbm>> -> memref<32x1x1024xf32, #tpu.memory_space<hbm>>
    %dma_wait3A_689 = tpu.memref_squeeze %dma_wait3A_688 : memref<32x1x1024xf32, #tpu.memory_space<hbm>> -> memref<32x1024xf32, #tpu.memory_space<hbm>>
    %dma_wait3A_690 = arith.constant 0 : i32
    %dma_wait3A_691 = tpu.memref_slice %arg5[%add3A_618, %dma_wait3A_686, %dma_wait3A_690] : memref<8192x1x1024xf32, #tpu.memory_space<hbm>> -> memref<32x1x1024xf32, #tpu.memory_space<hbm>>
    %dma_wait3A_692 = tpu.memref_squeeze %dma_wait3A_691 : memref<32x1x1024xf32, #tpu.memory_space<hbm>> -> memref<32x1024xf32, #tpu.memory_space<hbm>>
    tpu.wait_dma2 semaphore(%arg17 : memref<!tpu.dma_semaphore, #tpu.memory_space<semaphore_mem>>) src(%arg11 : memref<32x1024xf32, #tpu.memory_space<vmem>>) dst(%dma_wait3A_692 : memref<32x1024xf32, #tpu.memory_space<hbm>>)
    return
  }
}

</mosaic_0001>

<sc_bundles>
// kernel: _sc_gather.3.cloned.1.call-start
scs
__scs_entry_jumppad:
0x0: {  	(pc) =	sbr.rel $0x88, $3  }
0x1: {  	(tag) =	ssettag $0x0;
	lr =	simm.s32 $0x1  }
0x2: {  	[smem:$0x3F9E] =	sst lr;
	_ =	strace $0xD0000000  }
0x3: {  	_ = 	snop  }
0x4: {  	_ = 	snop  }
0x5: {  	_ = 	snop  }
0x6: {  	_ = 	snop  }
0x7: {  	_ = 	snop  }
__scs_overlays_trampoline_lowered:
0x8: {  	[smem:$0x3FAD] =	sst s0  }
0x9: {  	[smem:$0x3FAE] =	sst s1  }
0xa: {  	[smem:$0x3FAF] =	sst s2  }
0xb: {  	[smem:$0x3FB0] =	sst s3  }
0xc: {  	[smem:$0x3FB1] =	sst s4  }
0xd: {  	[smem:$0x3FB2] =	sst s5  }
0xe: {  	[smem:$0x3FB3] =	sst s6  }
0xf: {  	[smem:$0x3FB4] =	sst s7  }
0x10: {  	[smem:$0x3FB5] =	sst s8  }
0x11: {  	[smem:$0x3FB6] =	sst s9;
	s0 =	simm.s32 @!p0 $0x0  }
0x12: {  	s1 =	sld [smem:$0x3F9C];
	s0 =	simm.s32 @p0 $0x1  }
0x13: {  	[smem:$0x3FB7] =	sst s0;
	s0 =	simm.s32 @!p1 $0x0  }
0x14: {  	s2 =	sld [smem:$0x3F9B];
	s0 =	simm.s32 @p1 $0x1  }
0x15: {  	[smem:$0x3FB8] =	sst s0;
	s0 =	simm.s32 @!p2 $0x0  }
0x16: {  	s3 =	sld [smem:$0x3FDB];
	s0 =	simm.s32 @p2 $0x1  }
0x17: {  	s4 =	simm.s32 $0x1BF5;
	[smem:$0x3FBA] =	sst s0  }
0x18: {  	s0 =	sld [smem:$0x3F9D];
	_ =	swait.ge [sflag:s4], $0x0  }
0x19: {  	s7 =	sld [smem:$0x3F9E]  }
0x1a: {  	s8 =	sadd.s32 $0xFFFFE003, lr  }
0x1b: {  	s9 =	sadd.s32 $0xFFFFFEF7, lr;
	s5 =	simm.s32 $0xFFFFFFFF;
	p2 =	slt.u32 s8, $0xFFFFF086  }
0x1c: {  	p1 =	slt.u32 s9, $0xF7A;
	s5 =	simm.s32 @!p2 $0x0  }
0x1d: {  	s5 =	simm.s32 @p1 $0x1;
	p0 =	seq.s32 s7, s2  }
0x1e: {  	s7 =	smul.u32 @!p0 $0xF7A, s2;
	p2 =	seq.s32 @!p0 s5, $0x0  }
0x1f: {  	s9 =	smul.u32 $0xF7A, s1;
	s8 =	simm.s32 @!p0 $0x1BF5;
	p2 =	por !p2, p0  }
0x20: {  	[sflag:s8] =	ssyncset.s32 @!p0 $0xFFFFF086;
	s6 =	sadd.s32 @!p0 s3, s7;
	s7 =	simm.s32 @!p0 $0x108  }
0x21: {  	s3 =	sadd.s32 s3, s9;
	s6 =	sadd.s32 @!p0 $0x88, s6;
	s7 =	simm.s32 @p2 $0x1082  }
0x22: {  	[simem:s7], [sflag:s8] =	dma.local @!p0 [hbm:s6], $0xF7A  }
0x23: {  	s9 =	sor.u32 $0xD0000000, s2;
	s6 =	simm.s32 $0x108;
	_ =	swait.ge @!p0 [sflag:s8], $0x0  }
0x24: {  	s3 =	sadd.s32 $0x88, s3;
	s6 =	simm.s32 @!p1 $0x1082;
	[sflag:s4] =	ssyncset.s32 $0xFFFFF086  }
0x25: {  	[simem:s6], [sflag:s4] =	dma.local [hbm:s3], $0xF7A  }
0x26: {  	[smem:$0x3F9E] =	sst s1;
	(tag) =	ssettag s2;
	_ =	strace s9  }
0x27: {  	s1 =	sld [smem:$0x3FAE]  }
0x28: {  	s2 =	sld [smem:$0x3FAF]  }
0x29: {  	s4 =	sld [smem:$0x3FB1]  }
0x2a: {  	p0 =	seq.s32 s5, $0x0;
	s5 =	sld [smem:$0x3FB2]  }
0x2b: {  	s6 =	sld [smem:$0x3FB3]  }
0x2c: {  	s7 =	sld [smem:$0x3FB4]  }
0x2d: {  	s3 =	simm.s32 $0x108;
	s8 =	sld [smem:$0x3FB5]  }
0x2e: {  	s3 =	simm.s32 @!p0 $0x1082;
	s9 =	sld [smem:$0x3FB6]  }
0x2f: {  	lr =	sadd.s32 s0, s3;
	s0 =	sld [smem:$0x3FAD]  }
0x30: {  	s3 =	sld [smem:$0x3FB0]  }
0x31: {  	[smem:$0x3FB9] =	sst s10  }
0x32: {  	s10 =	sld [smem:$0x3FB7];
	_ =	sdelay $0x3  }
0x33: {  	p0 =	seq.s32 s10, $0x1;
	s10 =	sld [smem:$0x3FB9];
	_ =	sdelay $0x3  }
0x34: {  	[smem:$0x3FB9] =	sst s10  }
0x35: {  	s10 =	sld [smem:$0x3FB8];
	_ =	sdelay $0x3  }
0x36: {  	p1 =	seq.s32 s10, $0x1;
	s10 =	sld [smem:$0x3FB9];
	_ =	sdelay $0x3  }
0x37: {  	[smem:$0x3FB9] =	sst s10  }
0x38: {  	s10 =	sld [smem:$0x3FBA]  }
0x39: {  	_ = 	snop;
	(pc) =	sbr.ind lr, $3  }
0x3a: {  	_ = 	snop  }
0x3b: {  	_ = 	snop  }
0x3c: {  	p2 =	seq.s32 s10, $0x1;
	s10 =	sld [smem:$0x3FB9]  }
0x3d: {  	_ =	shalt  }
0x3e: {  	_ =	shalt  }
0x3f: {  	_ =	shalt  }
0x40: {  	_ =	shalt  }
0x41: {  	_ =	shalt  }
0x42: {  	_ =	shalt  }
0x43: {  	_ =	shalt  }
0x44: {  	_ =	shalt  }
0x45: {  	_ =	shalt  }
0x46: {  	_ =	shalt  }
0x47: {  	_ =	shalt  }
0x48: {  	_ =	shalt  }
0x49: {  	_ =	shalt  }
0x4a: {  	_ =	shalt  }
0x4b: {  	_ =	shalt  }
0x4c: {  	_ =	shalt  }
0x4d: {  	_ =	shalt  }
0x4e: {  	_ =	shalt  }
0x4f: {  	_ =	shalt  }
0x50: {  	_ =	shalt  }
0x51: {  	_ =	shalt  }
0x52: {  	_ =	shalt  }
0x53: {  	_ =	shalt  }
0x54: {  	_ =	shalt  }
0x55: {  	_ =	shalt  }
0x56: {  	_ =	shalt  }
0x57: {  	_ =	shalt  }
0x58: {  	_ =	shalt  }
0x59: {  	_ =	shalt  }
0x5a: {  	_ =	shalt  }
0x5b: {  	_ =	shalt  }
0x5c: {  	_ =	shalt  }
0x5d: {  	_ =	shalt  }
0x5e: {  	_ =	shalt  }
0x5f: {  	_ =	shalt  }
0x60: {  	_ =	shalt  }
0x61: {  	_ =	shalt  }
0x62: {  	_ =	shalt  }
0x63: {  	_ =	shalt  }
0x64: {  	_ =	shalt  }
0x65: {  	_ =	shalt  }
0x66: {  	_ =	shalt  }
0x67: {  	_ =	shalt  }
0x68: {  	_ =	shalt  }
0x69: {  	_ =	shalt  }
0x6a: {  	_ =	shalt  }
0x6b: {  	_ =	shalt  }
0x6c: {  	_ =	shalt  }
0x6d: {  	_ =	shalt  }
0x6e: {  	_ =	shalt  }
0x6f: {  	_ =	shalt  }
0x70: {  	_ =	shalt  }
0x71: {  	_ =	shalt  }
0x72: {  	_ =	shalt  }
0x73: {  	_ =	shalt  }
0x74: {  	_ =	shalt  }
0x75: {  	_ =	shalt  }
0x76: {  	_ =	shalt  }
0x77: {  	_ =	shalt  }
0x78: {  	_ =	shalt  }
0x79: {  	_ =	shalt  }
0x7a: {  	_ =	shalt  }
0x7b: {  	_ =	shalt  }
0x7c: {  	_ =	shalt  }
0x7d: {  	_ =	shalt  }
0x7e: {  	_ =	shalt  }
0x7f: {  	_ =	shalt  }
0x80: {  	_ =	shalt  }
0x81: {  	_ =	shalt  }
0x82: {  	_ =	shalt  }
0x83: {  	_ =	shalt  }
0x84: {  	_ =	shalt  }
0x85: {  	_ =	shalt  }
0x86: {  	_ =	shalt  }
0x87: {  	_ =	shalt  }
.Lfunc_end0:
.L_simem_size_0:
called_computation_lowered:
.L_overlay_start_0:
0x88: {  	s2 =	sld [smem:$0x3FD9]  }
0x89: {  	s3 =	sld [smem:$0x3FFE];
	_ =	sdelay $0x1  }
0x8a: {  	s1 =	srdreg.scid  }
0x8b: {  	s0 =	sand.u32 $0x1, s1  }
0x8c: {  	s18 =	sshll.u32 s0, $0xA;
	s2 =	sadd.s32 s3, s2  }
0x8d: {  	s2 =	sadd.s32 s2, s18  }
0x8e: {  	[smem:$0x3FC5] =	sst s2  }
0x8f: {  	_ = 	snop  }
0x90: {  	s2 =	sld [smem:$0x3FC9]  }
0x91: {  	s19 =	sld [smem:$0x3FC8]  }
0x92: {  	s4 =	sld [smem:$0x3FC7]  }
0x93: {  	s5 =	sld [smem:$0x3FD0];
	(tm) =	ssettm $0x1  }
0x94: {  	s6 =	sld [smem:$0x3FFB];
	_ =	sdelay $0x3  }
0x95: {  	_ =	strace s6  }
0x96: {  	s6 =	sld [smem:$0x3FFC];
	_ =	sdelay $0x3  }
0x97: {  	_ =	strace s6  }
0x98: {  	s6 =	sld [smem:$0x3FFD];
	_ =	sdelay $0x3  }
0x99: {  	_ =	strace s6  }
0x9a: {  	_ =	strace $0x8FFFFFFF  }
0x9b: {  	s20 =	sld [smem:$0x3FDB];
	_ =	sdelay $0x1  }
0x9c: {  	s7 =	simm.s32 $_scs_section_size  }
0x9d: {  	s8 =	simm.s32 $_size__tile_overlayer_lowered;
	s9 =	simm.s32 $_tile_overlayer_lowered  }
0x9e: {  	s23 =	simm.s32 $0x1BFF;
	s22 =	sshll.u32 s9, $0x1;
	s6 =	sadd.s32 s7, s20  }
0x9f: {  	s10 =	simm.s32 $0x0;
	s21 =	sshll.u32 s8, $0x1;
	s8 =	sadd.s32 s22, s6  }
0xa0: {  	[timem:s10], [sflag:s23] =	dma.local [hbm:s8], s21  }
0xa1: {  	_ =	swait.ge [sflag:s23], s21  }
0xa2: {  	s7 =	ssub.s32 $0x0, s21;
	[sflag:s23] =	ssyncset.done $0x0  }
0xa3: {  	[sflag:s23] =	ssyncadd.s32 s7;
	_ =	sdelay $0x1  }
0xa4: {  	s24 =	simm.s32 $0x1B8B  }
0xa5: {  	_ =	swait.ge [sflag:s24], $0x1  }
0xa6: {  	[sflag:s24] =	ssyncset.done $0x0  }
0xa7: {  	s25 =	simm.s32 $0x1B8E;
	[sflag:s24] =	ssyncadd.s32 $0xFFFFFFFF  }
0xa8: {  	s26 =	simm.s32 $execute0_lowered;
	[smem:$0x3FD2] =	sst s25  }
0xa9: {  	s7 =	sshll.u32 s26, $0x1;
	_ =	strace $0x80000046;
	[dreg:$0x1] =	wrdreg $0xFFFFFFFF  }
0xaa: {  	s28 =	simm.s32 $_size_execute0_lowered;
	s6 =	sadd.s32 s6, s7;
	[dreg:$0x0] =	wrdreg $0x0  }
0xab: {  	s7 =	sshll.u32 s28, $0x1;
	[dreg:$0x2] =	wrdreg s6  }
0xac: {  	[dreg:$0x3] =	wrdreg s7  }
0xad: {  	[dreg:$0x4] =	wrdreg $0xC0  }
0xae: {  	_ =	task [dreg:s10], $0x5FFFF  }
0xaf: {  	[dreg:$0x1] =	wrdreg $0xFFFFFFFF  }
0xb0: {  	[dreg:$0x0] =	wrdreg $0x60  }
0xb1: {  	[dreg:$0x2] =	wrdreg s2  }
0xb2: {  	[dreg:$0x3] =	wrdreg s19  }
0xb3: {  	[dreg:$0x4] =	wrdreg s4  }
0xb4: {  	[dreg:$0x5] =	wrdreg s5  }
0xb5: {  	[dreg:$0x6] =	wrdreg $0x9  }
0xb6: {  	_ =	task.clear_ibuf [dreg:s10], $0x7FFFF;
	_ =	strace $0x90000046  }
0xb7: {  	s29 =	simm.s32 $0x9;
	_ =	strace $0x80000048  }
0xb8: {  	_ =	swait.ge [sflag:s29], $0x1  }
0xb9: {  	[sflag:s29] =	ssyncadd.s32 $0xFFFFFFFF  }
0xba: {  	_ =	strace $0x90000048  }
0xbb: {  	_ =	sfence  }
0xbc: {  	s30 =	sld [smem:$0x0];
	_ =	sdelay $0x2  }
0xbd: {  	s31 =	sshll.u32 s1, $0xD;
	s1 =	sshrl.u32 s1, $0x2  }
0xbe: {  	s3 =	sand.u32 $0x4000, s31;
	s1 =	sadd.s32 s1, s30  }
0xbf: {  	s0 =	sor.u32 s3, s0;
	s1 =	sshll.u32 s1, $0x11  }
0xc0: {  	s0 =	sor.u32 s1, s0  }
0xc1: {  	s0 =	sadd.s32 $0x8F2B, s0  }
0xc2: {  	[sflag:s0] =	ssyncadd.remote.s32 $0x1  }
0xc3: {  	_ =	sfence.sel $0xFFFF  }
0xc4: {  	[dreg:$0x0] =	wrdreg $0xFFFFFFFF;
	(pc) =	sbr.abs _section_cstart, $3  }
0xc5: {  	[dreg:$0x1] =	wrdreg $0xFFFFFFFF  }
0xc6: {  	_ =	task.clear_ibuf [dreg:s10], $0x2FFFF;
	_ =	strace $0x9FFFFFFF  }
0xc7: {  	(tm) =	ssettm $0x7FFFFFFF  }
tec
execute0_lowered:
.L_overlay_start_1:
0x0: {  	(tag) =	ssettag $0x1  }
0x1: {  	s0 =	rddreg [dreg:$0x0]  }
0x2: {  	s2 =	rddreg [dreg:$0x1]  }
0x3: {  	s1 =	rddreg [dreg:$0x2]  }
0x4: {  	s4 =	rddreg [dreg:$0x3]  }
0x5: {  	s5 =	srdreg.scid;
	s3 =	simm.s32 $0x0;
	s7 =	stileid.u32  }
0x6: {  	s18 =	simm.s32 $0xF600;
	s19 =	simm.s32 $0x400;
	s20 =	simm.s32 $0x2  }
0x7: {  	s21 =	simm.s32 $0x4;
	s22 =	simm.s32 $0x3;
	s23 =	simm.s32 $0x5  }
0x8: {  	s24 =	simm.s32 $0x6;
	s25 =	simm.s32 $0x0;
	s5 =	sand.u32 $0x1, s5  }
0x9: {  	s7 =	sshll.u32 s7, $0x9;
	[smem:$0x7FF] =	sst s3;
	s9 =	sadd.s32 $0x300, s1  }
0xa: {  	s6 =	ssub.s32 $0x2, s5;
	s5 =	sshll.u32 s5, $0x8;
	_ =	strace $0x80000047  }
0xb: {  	s8 =	sshrl.u32 s6, $0x1;
	s5 =	sor.u32 s5, s7;
	s7 =	sadd.s32 $0x200, s1  }
0xc: {  	s17 =	ssub.s32 s6, s8;
	s28 =	sshrl.u32 s5, $0x3;
	s30 =	sshll.u32 s5, $0x7  }
0xd: {  	s6 =	sadd.s32 $0x100, s1;
	s5 =	simm.s32 $0x1;
	s0 =	sadd.s32 s0, s28  }
0xe: {  	s29 =	sadd.s32 s2, s28;
	s8 =	sadd.s32 s4, s30;
	s31 =	smax.u32 s17, $0x1  }
0xf: {  	s4 =	simm.s32 $0xFE00;
	s17 =	simm.s32 $0x80;
	[dreg:$0x5] =	wrdreg s0  }
0x10: {  	v2 =	vlaneseq.u32;
	[dreg:$0x6] =	wrdreg s29;
	s10 =	sadd.s32 $0x1000, s8;
	s11 =	sadd.s32 $0x2000, s8  }
0x11: {  	vm0 =	vmmov $0xffff;
	v1 =	vshrl.u32 v2, $0x3;
	s12 =	sadd.s32 $0x3000, s8;
	s13 =	sadd.s32 $0x4000, s8;
	s14 =	sadd.s32 $0x5000, s8  }
0x12: {  	v0 =	vand.u32 $0x7, v2;
	v2 =	vor.u32 $0x8, v2;
	v1 =	vmul.u32 $0x8, v1;
	s15 =	sadd.s32 $0x6000, s8;
	s16 =	sadd.s32 $0x7000, s8;
	[dreg:$0x7] =	wrdreg s31  }
.LBB2_1:
0x13: {  	s0 =	rddreg [dreg:$0x5]  }
0x14: {  	[tilespmem:s3], [sflag:$0x7] =	stream.linear.gather [hbm4b:s0+s3], $0x100, $0x38;
	[tilespmem:$0x18600] =	vst v63  }
0x15: {  	s26 =	rddreg [dreg:$0x6];
	s2 =	simm.s32 $0x100  }
0x16: {  	[tilespmem:s2], [sflag:$0x8] =	stream.linear.gather [hbm4b:s26+s3], $0x100, $0x38;
	[tilespmem:$0x18600] =	vst v63  }
0x17: {  	s2 =	simm.s32 $0x7  }
0x18: {  	_ =	swait.ge [sflag:s2], $0x100  }
0x19: {  	[sflag:s2] =	ssyncset.done $0x0  }
0x1a: {  	s26 =	simm.s32 $0x8;
	[sflag:s2] =	ssyncadd.s32 $0xFFFFFF00  }
0x1b: {  	_ =	swait.ge [sflag:s26], $0x100  }
0x1c: {  	[sflag:s26] =	ssyncset.done $0x0  }
0x1d: {  	[sflag:s26] =	ssyncadd.s32 $0xFFFFFF00  }
0x1e: {  	v3 =	vld [tilespmem:$0x0];
	_ =	sdelay $0x1  }
0x1f: {  	v4 =	vld [tilespmem:$0x100];
	_ =	sdelay $0x2  }
0x20: {  	vm1 =	vgt.s32 v3, $0x0  }
0x21: {  	v3 =	vnsel vm1, $0x0, v3  }
0x22: {  	vm1 =	vgt.s32 v4, $0x0;
	v3 =	vmin.u32 v3, $0x31  }
0x23: {  	v4 =	vnsel vm1, $0x0, v4;
	v3 =	vmul.u32 $0x18, v3  }
0x24: {  	v5 =	vld [tilespmem:$0x10];
	v4 =	vmin.u32 v4, $0x13  }
0x25: {  	v3 =	vadd.s32 v4, v3  }
0x26: {  	v6 =	vld [tilespmem:$0x110];
	v7 =	vshll.u32 v3, $0x3  }
0x27: {  	v4 =	vand.u32 $0x7, v4;
	v7 =	vand.u32 $0x7FC0, v7  }
0x28: {  	v4 =	vor.u32 v4, v7  }
0x29: {  	vm1 =	vgt.s32 v5, $0x0;
	v7 =	vperm.xlane v4, v0  }
0x2a: {  	v5 =	vnsel vm1, $0x0, v5  }
0x2b: {  	vm1 =	vgt.s32 v6, $0x0;
	v5 =	vmin.u32 v5, $0x31;
	v7 =	vadd.s32 v1, v7  }
0x2c: {  	v6 =	vnsel vm1, $0x0, v6;
	v5 =	vmul.u32 $0x18, v5  }
0x2d: {  	v6 =	vmin.u32 v6, $0x13  }
0x2e: {  	[tilespmem:$0x200] =	vst v3;
	v3 =	vadd.s32 v6, v5  }
0x2f: {  	s2 =	simm.s32 $0x600;
	[tilespmem:$0x210] =	vst v3  }
0x30: {  	[tilespmem:s2], [sflag:$0x1] =	stream.indirect_vreg.gather [hbm4b:s1+s3], $0x80, v7, vm0, $0xb8;
	[tilespmem:$0x18600] =	vst v63  }
0x31: {  	s26 =	simm.s32 $0xE00;
	v3 =	vperm.xlane v4, v2  }
0x32: {  	[tilespmem:s26], [sflag:$0x1] =	stream.indirect_vreg.gather [hbm4b:s6+s3], $0x80, v7, vm0, $0xb8;
	[tilespmem:$0x18600] =	vst v63  }
0x33: {  	v3 =	vadd.s32 v1, v3;
	s2 =	simm.s32 $0x1600  }
0x34: {  	[tilespmem:s2], [sflag:$0x1] =	stream.indirect_vreg.gather [hbm4b:s7+s3], $0x80, v7, vm0, $0xb8;
	[tilespmem:$0x18600] =	vst v63  }
0x35: {  	s26 =	simm.s32 $0x1E00  }
0x36: {  	[tilespmem:s26], [sflag:$0x1] =	stream.indirect_vreg.gather [hbm4b:s9+s3], $0x80, v7, vm0, $0xb8;
	[tilespmem:$0x18600] =	vst v63  }
0x37: {  	s2 =	simm.s32 $0x2600  }
0x38: {  	[tilespmem:s2], [sflag:$0x1] =	stream.indirect_vreg.gather [hbm4b:s1+s3], $0x80, v3, vm0, $0xb8;
	[tilespmem:$0x18600] =	vst v63  }
0x39: {  	s26 =	simm.s32 $0x2E00  }
0x3a: {  	[tilespmem:s26], [sflag:$0x1] =	stream.indirect_vreg.gather [hbm4b:s6+s3], $0x80, v3, vm0, $0xb8;
	[tilespmem:$0x18600] =	vst v63  }
0x3b: {  	s2 =	simm.s32 $0x3600  }
0x3c: {  	[tilespmem:s2], [sflag:$0x1] =	stream.indirect_vreg.gather [hbm4b:s7+s3], $0x80, v3, vm0, $0xb8;
	[tilespmem:$0x18600] =	vst v63  }
0x3d: {  	s26 =	simm.s32 $0x3E00  }
0x3e: {  	[tilespmem:s26], [sflag:$0x1] =	stream.indirect_vreg.gather [hbm4b:s9+s3], $0x80, v3, vm0, $0xb8;
	[tilespmem:$0x18600] =	vst v63  }
0x3f: {  	v3 =	vld [tilespmem:$0x210];
	_ =	sdelay $0x4  }
0x40: {  	v30 =	vshll.u32 v3, $0x3  }
0x41: {  	v3 =	vand.u32 $0x7, v3;
	v4 =	vand.u32 $0xFFFFFFC0, v30  }
0x42: {  	v3 =	vor.u32 v3, v4  }
0x43: {  	v4 =	vperm.xlane v3, v0;
	_ =	sdelay $0x1  }
0x44: {  	v4 =	vadd.s32 v1, v4;
	_ =	sdelay $0x3  }
0x45: {  	s2 =	simm.s32 $0x4600  }
0x46: {  	[tilespmem:s2], [sflag:$0x1] =	stream.indirect_vreg.gather [hbm4b:s1+s3], $0x80, v4, vm0, $0xb8;
	[tilespmem:$0x18600] =	vst v63  }
0x47: {  	s26 =	simm.s32 $0x4E00;
	v3 =	vperm.xlane v3, v2  }
0x48: {  	[tilespmem:s26], [sflag:$0x1] =	stream.indirect_vreg.gather [hbm4b:s6+s3], $0x80, v4, vm0, $0xb8;
	[tilespmem:$0x18600] =	vst v63  }
0x49: {  	v3 =	vadd.s32 v1, v3;
	s2 =	simm.s32 $0x5600  }
0x4a: {  	[tilespmem:s2], [sflag:$0x1] =	stream.indirect_vreg.gather [hbm4b:s7+s3], $0x80, v4, vm0, $0xb8;
	[tilespmem:$0x18600] =	vst v63  }
0x4b: {  	s26 =	simm.s32 $0x5E00  }
0x4c: {  	[tilespmem:s26], [sflag:$0x1] =	stream.indirect_vreg.gather [hbm4b:s9+s3], $0x80, v4, vm0, $0xb8;
	[tilespmem:$0x18600] =	vst v63  }
0x4d: {  	s2 =	simm.s32 $0x6600  }
0x4e: {  	[tilespmem:s2], [sflag:$0x1] =	stream.indirect_vreg.gather [hbm4b:s1+s3], $0x80, v3, vm0, $0xb8;
	[tilespmem:$0x18600] =	vst v63  }
0x4f: {  	s26 =	simm.s32 $0x6E00  }
0x50: {  	[tilespmem:s26], [sflag:$0x1] =	stream.indirect_vreg.gather [hbm4b:s6+s3], $0x80, v3, vm0, $0xb8;
	[tilespmem:$0x18600] =	vst v63  }
0x51: {  	s2 =	simm.s32 $0x7600  }
0x52: {  	[tilespmem:s2], [sflag:$0x1] =	stream.indirect_vreg.gather [hbm4b:s7+s3], $0x80, v3, vm0, $0xb8;
	[tilespmem:$0x18600] =	vst v63  }
0x53: {  	s26 =	simm.s32 $0x7E00  }
0x54: {  	[tilespmem:s26], [sflag:$0x1] =	stream.indirect_vreg.gather [hbm4b:s9+s3], $0x80, v3, vm0, $0xb8;
	[tilespmem:$0x18600] =	vst v63  }
0x55: {  	v3 =	vld [tilespmem:$0x20];
	_ =	sdelay $0x1  }
0x56: {  	v4 =	vld [tilespmem:$0x120];
	_ =	sdelay $0x2  }
0x57: {  	vm1 =	vgt.s32 v3, $0x0  }
0x58: {  	v3 =	vnsel vm1, $0x0, v3  }
0x59: {  	vm1 =	vgt.s32 v4, $0x0;
	v3 =	vmin.u32 v3, $0x31  }
0x5a: {  	v4 =	vnsel vm1, $0x0, v4;
	v3 =	vmul.u32 $0x18, v3  }
0x5b: {  	v31 =	vld [tilespmem:$0x30];
	v4 =	vmin.u32 v4, $0x13  }
0x5c: {  	v3 =	vadd.s32 v4, v3  }
0x5d: {  	v32 =	vld [tilespmem:$0x130];
	v33 =	vshll.u32 v3, $0x3  }
0x5e: {  	v4 =	vand.u32 $0x7, v4;
	v7 =	vand.u32 $0x7FC0, v33  }
0x5f: {  	v4 =	vor.u32 v4, v7  }
0x60: {  	vm1 =	vgt.s32 v31, $0x0;
	v7 =	vperm.xlane v4, v0  }
0x61: {  	v5 =	vnsel vm1, $0x0, v31  }
0x62: {  	vm1 =	vgt.s32 v32, $0x0;
	v5 =	vmin.u32 v5, $0x31;
	v7 =	vadd.s32 v1, v7  }
0x63: {  	v6 =	vnsel vm1, $0x0, v32;
	v5 =	vmul.u32 $0x18, v5  }
0x64: {  	v6 =	vmin.u32 v6, $0x13  }
0x65: {  	[tilespmem:$0x280] =	vst v3;
	v3 =	vadd.s32 v6, v5  }
0x66: {  	s2 =	simm.s32 $0x8600;
	[tilespmem:$0x290] =	vst v3  }
0x67: {  	[tilespmem:s2], [sflag:$0x2] =	stream.indirect_vreg.gather [hbm4b:s1+s3], $0x80, v7, vm0, $0xb8;
	[tilespmem:$0x18600] =	vst v63  }
0x68: {  	s26 =	simm.s32 $0x8E00;
	v3 =	vperm.xlane v4, v2  }
0x69: {  	[tilespmem:s26], [sflag:$0x2] =	stream.indirect_vreg.gather [hbm4b:s6+s3], $0x80, v7, vm0, $0xb8;
	[tilespmem:$0x18600] =	vst v63  }
0x6a: {  	v3 =	vadd.s32 v1, v3;
	s2 =	simm.s32 $0x9600  }
0x6b: {  	[tilespmem:s2], [sflag:$0x2] =	stream.indirect_vreg.gather [hbm4b:s7+s3], $0x80, v7, vm0, $0xb8;
	[tilespmem:$0x18600] =	vst v63  }
0x6c: {  	s26 =	simm.s32 $0x9E00  }
0x6d: {  	[tilespmem:s26], [sflag:$0x2] =	stream.indirect_vreg.gather [hbm4b:s9+s3], $0x80, v7, vm0, $0xb8;
	[tilespmem:$0x18600] =	vst v63  }
0x6e: {  	s2 =	simm.s32 $0xA600  }
0x6f: {  	[tilespmem:s2], [sflag:$0x2] =	stream.indirect_vreg.gather [hbm4b:s1+s3], $0x80, v3, vm0, $0xb8;
	[tilespmem:$0x18600] =	vst v63  }
0x70: {  	s26 =	simm.s32 $0xAE00  }
0x71: {  	[tilespmem:s26], [sflag:$0x2] =	stream.indirect_vreg.gather [hbm4b:s6+s3], $0x80, v3, vm0, $0xb8;
	[tilespmem:$0x18600] =	vst v63  }
0x72: {  	s2 =	simm.s32 $0xB600  }
0x73: {  	[tilespmem:s2], [sflag:$0x2] =	stream.indirect_vreg.gather [hbm4b:s7+s3], $0x80, v3, vm0, $0xb8;
	[tilespmem:$0x18600] =	vst v63  }
0x74: {  	s26 =	simm.s32 $0xBE00  }
0x75: {  	[tilespmem:s26], [sflag:$0x2] =	stream.indirect_vreg.gather [hbm4b:s9+s3], $0x80, v3, vm0, $0xb8;
	[tilespmem:$0x18600] =	vst v63  }
0x76: {  	v3 =	vld [tilespmem:$0x290];
	_ =	sdelay $0x4  }
0x77: {  	v34 =	vshll.u32 v3, $0x3  }
0x78: {  	v3 =	vand.u32 $0x7, v3;
	v4 =	vand.u32 $0xFFFFFFC0, v34  }
0x79: {  	v3 =	vor.u32 v3, v4  }
0x7a: {  	v4 =	vperm.xlane v3, v0;
	_ =	sdelay $0x1  }
0x7b: {  	v4 =	vadd.s32 v1, v4;
	_ =	sdelay $0x3  }
0x7c: {  	s2 =	simm.s32 $0xC600  }
0x7d: {  	[tilespmem:s2], [sflag:$0x2] =	stream.indirect_vreg.gather [hbm4b:s1+s3], $0x80, v4, vm0, $0xb8;
	[tilespmem:$0x18600] =	vst v63  }
0x7e: {  	s26 =	simm.s32 $0xCE00;
	v3 =	vperm.xlane v3, v2  }
0x7f: {  	[tilespmem:s26], [sflag:$0x2] =	stream.indirect_vreg.gather [hbm4b:s6+s3], $0x80, v4, vm0, $0xb8;
	[tilespmem:$0x18600] =	vst v63  }
0x80: {  	v3 =	vadd.s32 v1, v3;
	s2 =	simm.s32 $0xD600  }
0x81: {  	[tilespmem:s2], [sflag:$0x2] =	stream.indirect_vreg.gather [hbm4b:s7+s3], $0x80, v4, vm0, $0xb8;
	[tilespmem:$0x18600] =	vst v63  }
0x82: {  	s26 =	simm.s32 $0xDE00  }
0x83: {  	[tilespmem:s26], [sflag:$0x2] =	stream.indirect_vreg.gather [hbm4b:s9+s3], $0x80, v4, vm0, $0xb8;
	[tilespmem:$0x18600] =	vst v63  }
0x84: {  	s2 =	simm.s32 $0xE600  }
0x85: {  	[tilespmem:s2], [sflag:$0x2] =	stream.indirect_vreg.gather [hbm4b:s1+s3], $0x80, v3, vm0, $0xb8;
	[tilespmem:$0x18600] =	vst v63  }
0x86: {  	s26 =	simm.s32 $0xEE00  }
0x87: {  	[tilespmem:s26], [sflag:$0x2] =	stream.indirect_vreg.gather [hbm4b:s6+s3], $0x80, v3, vm0, $0xb8;
	[tilespmem:$0x18600] =	vst v63  }
0x88: {  	_ = 	snop  }
0x89: {  	[tilespmem:s18], [sflag:$0x2] =	stream.indirect_vreg.gather [hbm4b:s7+s3], $0x80, v3, vm0, $0xb8;
	[tilespmem:$0x18600] =	vst v63  }
0x8a: {  	_ = 	snop  }
0x8b: {  	[tilespmem:s4], [sflag:$0x2] =	stream.indirect_vreg.gather [hbm4b:s9+s3], $0x80, v3, vm0, $0xb8;
	[tilespmem:$0x18600] =	vst v63  }
0x8c: {  	v3 =	vld [tilespmem:$0x40]  }
0x8d: {  	v4 =	vld [tilespmem:$0x140]  }
0x8e: {  	v35 =	vld [tilespmem:$0x50]  }
0x8f: {  	v36 =	vld [tilespmem:$0x150]  }
0x90: {  	v7 =	vld [tilespmem:$0x60]  }
0x91: {  	vm1 =	vgt.s32 v3, $0x0  }
0x92: {  	v8 =	vld [tilespmem:$0x160];
	v3 =	vnsel vm1, $0x0, v3;
	vm1 =	vgt.s32 v4, $0x0  }
0x93: {  	v9 =	vld [tilespmem:$0x70];
	v3 =	vmin.u32 v3, $0x31;
	v4 =	vnsel vm1, $0x0, v4;
	vm1 =	vgt.s32 v35, $0x0  }
0x94: {  	v3 =	vmul.u32 $0x18, v3;
	v5 =	vnsel vm1, $0x0, v35;
	vm1 =	vgt.s32 v36, $0x0  }
0x95: {  	v10 =	vld [tilespmem:$0x170];
	v4 =	vmin.u32 v4, $0x13;
	v6 =	vnsel vm1, $0x0, v36;
	vm1 =	vgt.s32 v7, $0x0  }
0x96: {  	v39 =	vld [tilespmem:$0x80];
	v37 =	vmin.u32 v5, $0x31;
	v3 =	vadd.s32 v4, v3;
	v38 =	vnsel vm1, $0x0, v7  }
0x97: {  	v11 =	vld [tilespmem:$0x180];
	v4 =	vmul.u32 $0x18, v37;
	vm1 =	vgt.s32 v8, $0x0;
	v6 =	vmin.u32 v6, $0x13  }
0x98: {  	v12 =	vld [tilespmem:$0x90];
	v5 =	vmin.u32 v38, $0x31;
	v8 =	vnsel vm1, $0x0, v8;
	vm1 =	vgt.s32 v9, $0x0  }
0x99: {  	v5 =	vmul.u32 $0x18, v5;
	v4 =	vadd.s32 v6, v4;
	v41 =	vnsel vm1, $0x0, v9  }
0x9a: {  	v42 =	vld [tilespmem:$0x190];
	v40 =	vmin.u32 v8, $0x13;
	vm1 =	vgt.s32 v10, $0x0;
	v6 =	vmin.u32 v41, $0x31  }
0x9b: {  	v44 =	vld [tilespmem:$0xA0];
	v43 =	vnsel vm1, $0x0, v10;
	vm1 =	vgt.s32 v39, $0x0;
	v5 =	vadd.s32 v40, v5  }
0x9c: {  	v13 =	vld [tilespmem:$0x1A0];
	v6 =	vmul.u32 $0x18, v6;
	v7 =	vnsel vm1, $0x0, v39;
	vm1 =	vgt.s32 v11, $0x0  }
0x9d: {  	v9 =	vmin.u32 v43, $0x13;
	v11 =	vnsel vm1, $0x0, v11;
	vm1 =	vgt.s32 v12, $0x0  }
0x9e: {  	v46 =	vld [tilespmem:$0xB0];
	v7 =	vmin.u32 v7, $0x31;
	v6 =	vadd.s32 v9, v6;
	v45 =	vnsel vm1, $0x0, v12  }
0x9f: {  	v14 =	vld [tilespmem:$0x1B0];
	v7 =	vmul.u32 $0x18, v7;
	vm1 =	vgt.s32 v42, $0x0;
	v11 =	vmin.u32 v11, $0x13  }
0xa0: {  	v15 =	vld [tilespmem:$0xC0];
	v9 =	vmin.u32 v45, $0x31;
	v8 =	vnsel vm1, $0x0, v42;
	vm1 =	vgt.s32 v44, $0x0  }
0xa1: {  	v48 =	vld [tilespmem:$0x1C0];
	v9 =	vmul.u32 $0x18, v9;
	v47 =	vnsel vm1, $0x0, v44;
	vm1 =	vgt.s32 v13, $0x0  }
0xa2: {  	v7 =	vadd.s32 v11, v7;
	v8 =	vmin.u32 v8, $0x13;
	v49 =	vnsel vm1, $0x0, v13  }
0xa3: {  	v50 =	vld [tilespmem:$0xD0];
	vm1 =	vgt.s32 v46, $0x0;
	v8 =	vadd.s32 v8, v9;
	v9 =	vmin.u32 v47, $0x31  }
0xa4: {  	v12 =	vnsel vm1, $0x0, v46;
	vm1 =	vgt.s32 v14, $0x0;
	v11 =	vmin.u32 v49, $0x13  }
0xa5: {  	v16 =	vld [tilespmem:$0x1D0];
	v9 =	vmul.u32 $0x18, v9;
	v14 =	vnsel vm1, $0x0, v14;
	vm1 =	vgt.s32 v15, $0x0  }
0xa6: {  	v53 =	vld [tilespmem:$0xE0];
	v51 =	vmin.u32 v12, $0x31;
	v52 =	vnsel vm1, $0x0, v15;
	vm1 =	vgt.s32 v48, $0x0  }
0xa7: {  	v17 =	vld [tilespmem:$0x1E0];
	[tilespmem:$0x300] =	vst v3;
	v3 =	vmin.u32 v14, $0x13;
	v9 =	vadd.s32 v11, v9;
	v11 =	vmul.u32 $0x18, v51  }
0xa8: {  	v54 =	vld [tilespmem:$0xF0];
	v12 =	vmin.u32 v52, $0x31;
	v10 =	vnsel vm1, $0x0, v48;
	vm1 =	vgt.s32 v50, $0x0  }
0xa9: {  	[tilespmem:$0x310] =	vst v4;
	v12 =	vmul.u32 $0x18, v12;
	v55 =	vmin.u32 v10, $0x13;
	v56 =	vnsel vm1, $0x0, v50  }
0xaa: {  	v57 =	vld [tilespmem:$0x1F0];
	[tilespmem:$0x380] =	vst v5;
	vm1 =	vgt.s32 v16, $0x0;
	v3 =	vadd.s32 v3, v11;
	v5 =	vmin.u32 v56, $0x31  }
0xab: {  	[tilespmem:$0x390] =	vst v6;
	v58 =	vnsel vm1, $0x0, v16;
	vm1 =	vgt.s32 v53, $0x0;
	v4 =	vadd.s32 v55, v12  }
0xac: {  	[tilespmem:$0x400] =	vst v7;
	v5 =	vmul.u32 $0x18, v5;
	v59 =	vnsel vm1, $0x0, v53;
	vm1 =	vgt.s32 v17, $0x0  }
0xad: {  	[tilespmem:$0x410] =	vst v8;
	v6 =	vmin.u32 v58, $0x13;
	v60 =	vnsel vm1, $0x0, v17;
	vm1 =	vgt.s32 v54, $0x0  }
0xae: {  	[tilespmem:$0x480] =	vst v9;
	v7 =	vmin.u32 v59, $0x31;
	v5 =	vadd.s32 v6, v5;
	v61 =	vnsel vm1, $0x0, v54  }
0xaf: {  	[tilespmem:$0x490] =	vst v3;
	v3 =	vmul.u32 $0x18, v7;
	vm1 =	vgt.s32 v57, $0x0;
	v6 =	vmin.u32 v61, $0x31  }
0xb0: {  	[tilespmem:$0x500] =	vst v4;
	v63 =	vmin.u32 v60, $0x13;
	v62 =	vnsel vm1, $0x0, v57;
	v6 =	vmul.u32 $0x18, v6  }
0xb1: {  	[tilespmem:$0x510] =	vst v5;
	v3 =	vadd.s32 v63, v3;
	v4 =	vmin.u32 v62, $0x13  }
0xb2: {  	[tilespmem:$0x580] =	vst v3;
	v3 =	vadd.s32 v4, v6  }
0xb3: {  	[tilespmem:$0x590] =	vst v3  }
0xb4: {  	_ =	swait.ge [sflag:s5], $0x8000  }
0xb5: {  	[sflag:s5] =	ssyncset.done $0x0  }
0xb6: {  	s26 =	simm.s32 $0x600;
	[sflag:s5] =	ssyncadd.s32 $0xFFFF8000  }
0xb7: {  	[hbm4b:s8+s17] =	stream.strided.scatter [tilespmem:s26], [sflag:$0x4], $0x400, s19, s17, $0x38;
	[tilespmem:$0x18600] =	vst v63  }
0xb8: {  	s28 =	sadd.s32 $0x10, s8;
	s0 =	simm.s32 $0xA00  }
0xb9: {  	[hbm4b:s28+s17] =	stream.strided.scatter [tilespmem:s0], [sflag:$0x4], $0x400, s19, s17, $0x38;
	[tilespmem:$0x18600] =	vst v63  }
0xba: {  	s2 =	simm.s32 $0xE00;
	s28 =	sadd.s32 $0x20, s8  }
0xbb: {  	[hbm4b:s28+s17] =	stream.strided.scatter [tilespmem:s2], [sflag:$0x4], $0x400, s19, s17, $0x38;
	[tilespmem:$0x18600] =	vst v63  }
0xbc: {  	s0 =	simm.s32 $0x1200;
	s28 =	sadd.s32 $0x30, s8  }
0xbd: {  	[hbm4b:s28+s17] =	stream.strided.scatter [tilespmem:s0], [sflag:$0x4], $0x400, s19, s17, $0x38;
	[tilespmem:$0x18600] =	vst v63  }
0xbe: {  	s2 =	simm.s32 $0x1600;
	s28 =	sadd.s32 $0x40, s8  }
0xbf: {  	[hbm4b:s28+s17] =	stream.strided.scatter [tilespmem:s2], [sflag:$0x4], $0x400, s19, s17, $0x38;
	[tilespmem:$0x18600] =	vst v63  }
0xc0: {  	s29 =	simm.s32 $0x10000;
	s0 =	simm.s32 $0x1A00;
	s28 =	sadd.s32 $0x50, s8  }
0xc1: {  	[hbm4b:s28+s17] =	stream.strided.scatter [tilespmem:s0], [sflag:$0x4], $0x400, s19, s17, $0x38;
	[tilespmem:$0x18600] =	vst v63  }
0xc2: {  	s30 =	simm.s32 $0x2200;
	s2 =	simm.s32 $0x1E00;
	s28 =	sadd.s32 $0x60, s8  }
0xc3: {  	[hbm4b:s28+s17] =	stream.strided.scatter [tilespmem:s2], [sflag:$0x4], $0x400, s19, s17, $0x38;
	[tilespmem:$0x18600] =	vst v63  }
0xc4: {  	s31 =	sadd.s32 $0x70, s8;
	s26 =	simm.s32 $0x2000;
	s28 =	sadd.s32 $0x400, s8  }
.LBB2_2:
0xc5: {  	[hbm4b:s31+s17] =	stream.strided.scatter [tilespmem:s30], [sflag:$0x4], $0x400, s19, s17, $0x38;
	[tilespmem:$0x18600] =	vst v63  }
0xc6: {  	s30 =	smov.u32 s26;
	s26 =	smov.u32 s29  }
0xc7: {  	s0 =	sadd.s32 $0x8000, s29;
	s26 =	sshra.s32 s26, $0x2;
	s31 =	sadd.s32 $0x600, s30  }
0xc8: {  	[hbm4b:s28+s17] =	stream.strided.scatter [tilespmem:s31], [sflag:$0x4], $0x400, s19, s17, $0x38;
	[tilespmem:$0x18600] =	vst v63  }
0xc9: {  	p0 =	sne.s32 s29, $0x18000;
	s29 =	sadd.s32 $0xA00, s30;
	s31 =	sadd.s32 $0x10, s28  }
0xca: {  	[hbm4b:s31+s17] =	stream.strided.scatter [tilespmem:s29], [sflag:$0x4], $0x400, s19, s17, $0x38;
	[tilespmem:$0x18600] =	vst v63  }
0xcb: {  	s29 =	sadd.s32 $0xE00, s30;
	s31 =	sadd.s32 $0x20, s28  }
0xcc: {  	[hbm4b:s31+s17] =	stream.strided.scatter [tilespmem:s29], [sflag:$0x4], $0x400, s19, s17, $0x38;
	[tilespmem:$0x18600] =	vst v63  }
0xcd: {  	s29 =	sadd.s32 $0x1200, s30;
	s31 =	sadd.s32 $0x30, s28  }
0xce: {  	[hbm4b:s31+s17] =	stream.strided.scatter [tilespmem:s29], [sflag:$0x4], $0x400, s19, s17, $0x38;
	[tilespmem:$0x18600] =	vst v63  }
0xcf: {  	s29 =	sadd.s32 $0x1600, s30;
	s31 =	sadd.s32 $0x40, s28  }
0xd0: {  	[hbm4b:s31+s17] =	stream.strided.scatter [tilespmem:s29], [sflag:$0x4], $0x400, s19, s17, $0x38;
	[tilespmem:$0x18600] =	vst v63  }
.Ltmp0:
0xd1: {  	s29 =	sadd.s32 $0x1A00, s30;
	s31 =	sadd.s32 $0x50, s28;
	(pc) =	sbr.rel @p0 .LBB2_2-.Ltmp0, $4  }
0xd2: {  	[hbm4b:s31+s17] =	stream.strided.scatter [tilespmem:s29], [sflag:$0x4], $0x400, s19, s17, $0x38;
	[tilespmem:$0x18600] =	vst v63  }
0xd3: {  	s29 =	sadd.s32 $0x1E00, s30;
	s31 =	sadd.s32 $0x60, s28;
	s30 =	sadd.s32 $0x2200, s30  }
0xd4: {  	[hbm4b:s31+s17] =	stream.strided.scatter [tilespmem:s29], [sflag:$0x4], $0x400, s19, s17, $0x38;
	[tilespmem:$0x18600] =	vst v63  }
0xd5: {  	s31 =	sadd.s32 $0x70, s28;
	s28 =	sadd.s32 $0x400, s28;
	s29 =	smov.u32 s0  }
0xd6: {  	[hbm4b:s31+s17] =	stream.strided.scatter [tilespmem:s30], [sflag:$0x4], $0x400, s19, s17, $0x38;
	[tilespmem:$0x18600] =	vst v63  }
0xd7: {  	s0 =	sadd.s32 $0x600, s26  }
0xd8: {  	[hbm4b:s28+s17] =	stream.strided.scatter [tilespmem:s0], [sflag:$0x4], $0x400, s19, s17, $0x38;
	[tilespmem:$0x18600] =	vst v63  }
0xd9: {  	s2 =	sadd.s32 $0xA00, s26;
	s29 =	sadd.s32 $0x10, s28  }
0xda: {  	[hbm4b:s29+s17] =	stream.strided.scatter [tilespmem:s2], [sflag:$0x4], $0x400, s19, s17, $0x38;
	[tilespmem:$0x18600] =	vst v63  }
0xdb: {  	s2 =	sadd.s32 $0xE00, s26;
	s29 =	sadd.s32 $0x20, s28  }
0xdc: {  	[hbm4b:s29+s17] =	stream.strided.scatter [tilespmem:s2], [sflag:$0x4], $0x400, s19, s17, $0x38;
	[tilespmem:$0x18600] =	vst v63  }
0xdd: {  	s2 =	sadd.s32 $0x1200, s26;
	s29 =	sadd.s32 $0x30, s28  }
0xde: {  	[hbm4b:s29+s17] =	stream.strided.scatter [tilespmem:s2], [sflag:$0x4], $0x400, s19, s17, $0x38;
	[tilespmem:$0x18600] =	vst v63  }
0xdf: {  	s2 =	sadd.s32 $0x1600, s26;
	s29 =	sadd.s32 $0x40, s28  }
0xe0: {  	[hbm4b:s29+s17] =	stream.strided.scatter [tilespmem:s2], [sflag:$0x4], $0x400, s19, s17, $0x38;
	[tilespmem:$0x18600] =	vst v63  }
0xe1: {  	s2 =	sadd.s32 $0x1A00, s26;
	s29 =	sadd.s32 $0x50, s28  }
0xe2: {  	[hbm4b:s29+s17] =	stream.strided.scatter [tilespmem:s2], [sflag:$0x4], $0x400, s19, s17, $0x38;
	[tilespmem:$0x18600] =	vst v63  }
0xe3: {  	s2 =	sadd.s32 $0x1E00, s26;
	s29 =	sadd.s32 $0x60, s28  }
0xe4: {  	[hbm4b:s29+s17] =	stream.strided.scatter [tilespmem:s2], [sflag:$0x4], $0x400, s19, s17, $0x38;
	[tilespmem:$0x18600] =	vst v63  }
0xe5: {  	s26 =	sadd.s32 $0x2200, s26;
	s2 =	sadd.s32 $0x70, s28  }
0xe6: {  	[hbm4b:s2+s17] =	stream.strided.scatter [tilespmem:s26], [sflag:$0x4], $0x400, s19, s17, $0x38;
	[tilespmem:$0x18600] =	vst v63  }
0xe7: {  	v3 =	vld [tilespmem:$0x300];
	_ =	sdelay $0x4  }
0xe8: {  	v4 =	vshll.u32 v3, $0x3  }
0xe9: {  	v3 =	vand.u32 $0x7, v3;
	v4 =	vand.u32 $0xFFFFFFC0, v4  }
0xea: {  	v3 =	vor.u32 v3, v4  }
0xeb: {  	v4 =	vperm.xlane v3, v0;
	_ =	sdelay $0x1  }
0xec: {  	v4 =	vadd.s32 v1, v4;
	_ =	sdelay $0x3  }
0xed: {  	s0 =	simm.s32 $0x0;
	s2 =	simm.s32 $0x10600  }
0xee: {  	[tilespmem:s2], [sflag:$0x3] =	stream.indirect_vreg.gather [hbm4b:s1+s0], $0x80, v4, vm0, $0xb8;
	[tilespmem:$0x18600] =	vst v63  }
0xef: {  	s26 =	simm.s32 $0x10E00;
	v3 =	vperm.xlane v3, v2  }
0xf0: {  	[tilespmem:s26], [sflag:$0x3] =	stream.indirect_vreg.gather [hbm4b:s6+s0], $0x80, v4, vm0, $0xb8;
	[tilespmem:$0x18600] =	vst v63  }
0xf1: {  	v3 =	vadd.s32 v1, v3;
	s26 =	simm.s32 $0x11600  }
0xf2: {  	[tilespmem:s26], [sflag:$0x3] =	stream.indirect_vreg.gather [hbm4b:s7+s0], $0x80, v4, vm0, $0xb8;
	[tilespmem:$0x18600] =	vst v63  }
0xf3: {  	s26 =	simm.s32 $0x11E00  }
0xf4: {  	[tilespmem:s26], [sflag:$0x3] =	stream.indirect_vreg.gather [hbm4b:s9+s0], $0x80, v4, vm0, $0xb8;
	[tilespmem:$0x18600] =	vst v63  }
0xf5: {  	s26 =	simm.s32 $0x12600  }
0xf6: {  	[tilespmem:s26], [sflag:$0x3] =	stream.indirect_vreg.gather [hbm4b:s1+s0], $0x80, v3, vm0, $0xb8;
	[tilespmem:$0x18600] =	vst v63  }
0xf7: {  	s26 =	simm.s32 $0x12E00  }
0xf8: {  	[tilespmem:s26], [sflag:$0x3] =	stream.indirect_vreg.gather [hbm4b:s6+s0], $0x80, v3, vm0, $0xb8;
	[tilespmem:$0x18600] =	vst v63  }
0xf9: {  	s26 =	simm.s32 $0x13600  }
0xfa: {  	[tilespmem:s26], [sflag:$0x3] =	stream.indirect_vreg.gather [hbm4b:s7+s0], $0x80, v3, vm0, $0xb8;
	[tilespmem:$0x18600] =	vst v63  }
0xfb: {  	s26 =	simm.s32 $0x13E00  }
0xfc: {  	[tilespmem:s26], [sflag:$0x3] =	stream.indirect_vreg.gather [hbm4b:s9+s0], $0x80, v3, vm0, $0xb8;
	[tilespmem:$0x18600] =	vst v63  }
0xfd: {  	v3 =	vld [tilespmem:$0x310];
	_ =	sdelay $0x4  }
0xfe: {  	v63 =	vshll.u32 v3, $0x3  }
0xff: {  	v3 =	vand.u32 $0x7, v3;
	v4 =	vand.u32 $0xFFFFFFC0, v63  }
0x100: {  	v3 =	vor.u32 v3, v4  }
0x101: {  	v4 =	vperm.xlane v3, v0;
	_ =	sdelay $0x1  }
0x102: {  	v4 =	vadd.s32 v1, v4;
	_ =	sdelay $0x3  }
0x103: {  	s26 =	simm.s32 $0x14600  }
0x104: {  	[tilespmem:s26], [sflag:$0x3] =	stream.indirect_vreg.gather [hbm4b:s1+s0], $0x80, v4, vm0, $0xb8;
	[tilespmem:$0x18600] =	vst v63  }
0x105: {  	v3 =	vperm.xlane v3, v2;
	s26 =	simm.s32 $0x14E00  }
0x106: {  	[tilespmem:s26], [sflag:$0x3] =	stream.indirect_vreg.gather [hbm4b:s6+s0], $0x80, v4, vm0, $0xb8;
	[tilespmem:$0x18600] =	vst v63  }
0x107: {  	v3 =	vadd.s32 v1, v3;
	s26 =	simm.s32 $0x15600  }
0x108: {  	[tilespmem:s26], [sflag:$0x3] =	stream.indirect_vreg.gather [hbm4b:s7+s0], $0x80, v4, vm0, $0xb8;
	[tilespmem:$0x18600] =	vst v63  }
0x109: {  	s26 =	simm.s32 $0x15E00  }
0x10a: {  	[tilespmem:s26], [sflag:$0x3] =	stream.indirect_vreg.gather [hbm4b:s9+s0], $0x80, v4, vm0, $0xb8;
	[tilespmem:$0x18600] =	vst v63  }
0x10b: {  	s26 =	simm.s32 $0x16600  }
0x10c: {  	[tilespmem:s26], [sflag:$0x3] =	stream.indirect_vreg.gather [hbm4b:s1+s0], $0x80, v3, vm0, $0xb8;
	[tilespmem:$0x18600] =	vst v63  }
0x10d: {  	s26 =	simm.s32 $0x16E00  }
0x10e: {  	[tilespmem:s26], [sflag:$0x3] =	stream.indirect_vreg.gather [hbm4b:s6+s0], $0x80, v3, vm0, $0xb8;
	[tilespmem:$0x18600] =	vst v63  }
0x10f: {  	s26 =	simm.s32 $0x17600  }
0x110: {  	[tilespmem:s26], [sflag:$0x3] =	stream.indirect_vreg.gather [hbm4b:s7+s0], $0x80, v3, vm0, $0xb8;
	[tilespmem:$0x18600] =	vst v63  }
0x111: {  	s26 =	simm.s32 $0x17E00  }
0x112: {  	[tilespmem:s26], [sflag:$0x3] =	stream.indirect_vreg.gather [hbm4b:s9+s0], $0x80, v3, vm0, $0xb8;
	[tilespmem:$0x18600] =	vst v63  }
0x113: {  	_ =	swait.ge [sflag:s20], $0x8000  }
0x114: {  	[sflag:s20] =	ssyncset.done $0x0  }
0x115: {  	s2 =	simm.s32 $0x8600;
	[sflag:s20] =	ssyncadd.s32 $0xFFFF8000  }
0x116: {  	[hbm4b:s10+s17] =	stream.strided.scatter [tilespmem:s2], [sflag:$0x5], $0x400, s19, s17, $0x38;
	[tilespmem:$0x18600] =	vst v63  }
0x117: {  	s26 =	simm.s32 $0x8A00;
	s2 =	sadd.s32 $0x10, s10  }
0x118: {  	[hbm4b:s2+s17] =	stream.strided.scatter [tilespmem:s26], [sflag:$0x5], $0x400, s19, s17, $0x38;
	[tilespmem:$0x18600] =	vst v63  }
0x119: {  	s26 =	simm.s32 $0x8E00;
	s2 =	sadd.s32 $0x20, s10  }
0x11a: {  	[hbm4b:s2+s17] =	stream.strided.scatter [tilespmem:s26], [sflag:$0x5], $0x400, s19, s17, $0x38;
	[tilespmem:$0x18600] =	vst v63  }
0x11b: {  	s26 =	simm.s32 $0x9200;
	s2 =	sadd.s32 $0x30, s10  }
0x11c: {  	[hbm4b:s2+s17] =	stream.strided.scatter [tilespmem:s26], [sflag:$0x5], $0x400, s19, s17, $0x38;
	[tilespmem:$0x18600] =	vst v63  }
0x11d: {  	s26 =	simm.s32 $0x9600;
	s2 =	sadd.s32 $0x40, s10  }
0x11e: {  	[hbm4b:s2+s17] =	stream.strided.scatter [tilespmem:s26], [sflag:$0x5], $0x400, s19, s17, $0x38;
	[tilespmem:$0x18600] =	vst v63  }
0x11f: {  	s30 =	simm.s32 $0xA200;
	s26 =	simm.s32 $0x9A00;
	s2 =	sadd.s32 $0x50, s10  }
0x120: {  	[hbm4b:s2+s17] =	stream.strided.scatter [tilespmem:s26], [sflag:$0x5], $0x400, s19, s17, $0x38;
	[tilespmem:$0x18600] =	vst v63  }
0x121: {  	s31 =	sadd.s32 $0x70, s10;
	s26 =	simm.s32 $0x9E00;
	s2 =	sadd.s32 $0x60, s10  }
0x122: {  	[hbm4b:s2+s17] =	stream.strided.scatter [tilespmem:s26], [sflag:$0x5], $0x400, s19, s17, $0x38;
	[tilespmem:$0x18600] =	vst v63  }
0x123: {  	s29 =	simm.s32 $0x10000;
	s28 =	sadd.s32 $0x400, s10;
	s26 =	simm.s32 $0x2000  }
.LBB2_4:
0x124: {  	[hbm4b:s31+s17] =	stream.strided.scatter [tilespmem:s30], [sflag:$0x5], $0x400, s19, s17, $0x38;
	[tilespmem:$0x18600] =	vst v63  }
0x125: {  	s0 =	smov.u32 s26;
	s26 =	smov.u32 s29  }
0x126: {  	s2 =	sadd.s32 $0x8000, s29;
	s26 =	sshra.s32 s26, $0x2;
	s30 =	sadd.s32 $0x8600, s0  }
0x127: {  	[hbm4b:s28+s17] =	stream.strided.scatter [tilespmem:s30], [sflag:$0x5], $0x400, s19, s17, $0x38;
	[tilespmem:$0x18600] =	vst v63  }
0x128: {  	p0 =	sne.s32 s29, $0x18000;
	s29 =	sadd.s32 $0x8A00, s0;
	s30 =	sadd.s32 $0x10, s28  }
0x129: {  	[hbm4b:s30+s17] =	stream.strided.scatter [tilespmem:s29], [sflag:$0x5], $0x400, s19, s17, $0x38;
	[tilespmem:$0x18600] =	vst v63  }
0x12a: {  	s29 =	sadd.s32 $0x8E00, s0;
	s30 =	sadd.s32 $0x20, s28  }
0x12b: {  	[hbm4b:s30+s17] =	stream.strided.scatter [tilespmem:s29], [sflag:$0x5], $0x400, s19, s17, $0x38;
	[tilespmem:$0x18600] =	vst v63  }
0x12c: {  	s29 =	sadd.s32 $0x9200, s0;
	s30 =	sadd.s32 $0x30, s28  }
0x12d: {  	[hbm4b:s30+s17] =	stream.strided.scatter [tilespmem:s29], [sflag:$0x5], $0x400, s19, s17, $0x38;
	[tilespmem:$0x18600] =	vst v63  }
0x12e: {  	s29 =	sadd.s32 $0x9600, s0;
	s30 =	sadd.s32 $0x40, s28  }
0x12f: {  	[hbm4b:s30+s17] =	stream.strided.scatter [tilespmem:s29], [sflag:$0x5], $0x400, s19, s17, $0x38;
	[tilespmem:$0x18600] =	vst v63  }
.Ltmp1:
0x130: {  	s29 =	sadd.s32 $0x9A00, s0;
	s30 =	sadd.s32 $0x50, s28;
	(pc) =	sbr.rel @p0 .LBB2_4-.Ltmp1, $4  }
0x131: {  	[hbm4b:s30+s17] =	stream.strided.scatter [tilespmem:s29], [sflag:$0x5], $0x400, s19, s17, $0x38;
	[tilespmem:$0x18600] =	vst v63  }
0x132: {  	s31 =	sadd.s32 $0x70, s28;
	s29 =	sadd.s32 $0x9E00, s0;
	s30 =	sadd.s32 $0x60, s28  }
0x133: {  	[hbm4b:s30+s17] =	stream.strided.scatter [tilespmem:s29], [sflag:$0x5], $0x400, s19, s17, $0x38;
	[tilespmem:$0x18600] =	vst v63  }
0x134: {  	s28 =	sadd.s32 $0x400, s28;
	s30 =	sadd.s32 $0xA200, s0;
	s29 =	smov.u32 s2  }
0x135: {  	[hbm4b:s31+s17] =	stream.strided.scatter [tilespmem:s30], [sflag:$0x5], $0x400, s19, s17, $0x38;
	[tilespmem:$0x18600] =	vst v63  }
0x136: {  	s0 =	sadd.s32 $0x8600, s26  }
0x137: {  	[hbm4b:s28+s17] =	stream.strided.scatter [tilespmem:s0], [sflag:$0x5], $0x400, s19, s17, $0x38;
	[tilespmem:$0x18600] =	vst v63  }
0x138: {  	s2 =	sadd.s32 $0x10, s28;
	s0 =	sadd.s32 $0x8A00, s26  }
0x139: {  	[hbm4b:s2+s17] =	stream.strided.scatter [tilespmem:s0], [sflag:$0x5], $0x400, s19, s17, $0x38;
	[tilespmem:$0x18600] =	vst v63  }
0x13a: {  	s0 =	sadd.s32 $0x8E00, s26;
	s2 =	sadd.s32 $0x20, s28  }
0x13b: {  	[hbm4b:s2+s17] =	stream.strided.scatter [tilespmem:s0], [sflag:$0x5], $0x400, s19, s17, $0x38;
	[tilespmem:$0x18600] =	vst v63  }
0x13c: {  	s0 =	sadd.s32 $0x9200, s26;
	s2 =	sadd.s32 $0x30, s28  }
0x13d: {  	[hbm4b:s2+s17] =	stream.strided.scatter [tilespmem:s0], [sflag:$0x5], $0x400, s19, s17, $0x38;
	[tilespmem:$0x18600] =	vst v63  }
0x13e: {  	s0 =	sadd.s32 $0x9600, s26;
	s2 =	sadd.s32 $0x40, s28  }
0x13f: {  	[hbm4b:s2+s17] =	stream.strided.scatter [tilespmem:s0], [sflag:$0x5], $0x400, s19, s17, $0x38;
	[tilespmem:$0x18600] =	vst v63  }
0x140: {  	s0 =	sadd.s32 $0x9A00, s26;
	s2 =	sadd.s32 $0x50, s28  }
0x141: {  	[hbm4b:s2+s17] =	stream.strided.scatter [tilespmem:s0], [sflag:$0x5], $0x400, s19, s17, $0x38;
	[tilespmem:$0x18600] =	vst v63  }
0x142: {  	s0 =	sadd.s32 $0x9E00, s26;
	s2 =	sadd.s32 $0x60, s28  }
0x143: {  	[hbm4b:s2+s17] =	stream.strided.scatter [tilespmem:s0], [sflag:$0x5], $0x400, s19, s17, $0x38;
	[tilespmem:$0x18600] =	vst v63  }
0x144: {  	s2 =	sadd.s32 $0xA200, s26;
	s26 =	sadd.s32 $0x70, s28  }
0x145: {  	[hbm4b:s26+s17] =	stream.strided.scatter [tilespmem:s2], [sflag:$0x5], $0x400, s19, s17, $0x38;
	[tilespmem:$0x18600] =	vst v63  }
0x146: {  	_ =	swait.ge [sflag:s21], $0x8000  }
0x147: {  	[sflag:s21] =	ssyncset.done $0x0  }
0x148: {  	[sflag:s21] =	ssyncadd.s32 $0xFFFF8000  }
0x149: {  	v3 =	vld [tilespmem:$0x380];
	_ =	sdelay $0x4  }
0x14a: {  	v4 =	vshll.u32 v3, $0x3  }
0x14b: {  	v3 =	vand.u32 $0x7, v3;
	v4 =	vand.u32 $0xFFFFFFC0, v4  }
0x14c: {  	v3 =	vor.u32 v3, v4  }
0x14d: {  	v4 =	vperm.xlane v3, v0;
	_ =	sdelay $0x1  }
0x14e: {  	v4 =	vadd.s32 v1, v4;
	_ =	sdelay $0x3  }
0x14f: {  	s0 =	simm.s32 $0x0;
	s26 =	simm.s32 $0x600  }
0x150: {  	[tilespmem:s26], [sflag:$0x1] =	stream.indirect_vreg.gather [hbm4b:s1+s0], $0x80, v4, vm0, $0xb8;
	[tilespmem:$0x18600] =	vst v63  }
0x151: {  	v3 =	vperm.xlane v3, v2;
	s26 =	simm.s32 $0xE00  }
0x152: {  	[tilespmem:s26], [sflag:$0x1] =	stream.indirect_vreg.gather [hbm4b:s6+s0], $0x80, v4, vm0, $0xb8;
	[tilespmem:$0x18600] =	vst v63  }
0x153: {  	v3 =	vadd.s32 v1, v3;
	s26 =	simm.s32 $0x1600  }
0x154: {  	[tilespmem:s26], [sflag:$0x1] =	stream.indirect_vreg.gather [hbm4b:s7+s0], $0x80, v4, vm0, $0xb8;
	[tilespmem:$0x18600] =	vst v63  }
0x155: {  	s26 =	simm.s32 $0x1E00  }
0x156: {  	[tilespmem:s26], [sflag:$0x1] =	stream.indirect_vreg.gather [hbm4b:s9+s0], $0x80, v4, vm0, $0xb8;
	[tilespmem:$0x18600] =	vst v63  }
0x157: {  	s26 =	simm.s32 $0x2600  }
0x158: {  	[tilespmem:s26], [sflag:$0x1] =	stream.indirect_vreg.gather [hbm4b:s1+s0], $0x80, v3, vm0, $0xb8;
	[tilespmem:$0x18600] =	vst v63  }
0x159: {  	s26 =	simm.s32 $0x2E00  }
0x15a: {  	[tilespmem:s26], [sflag:$0x1] =	stream.indirect_vreg.gather [hbm4b:s6+s0], $0x80, v3, vm0, $0xb8;
	[tilespmem:$0x18600] =	vst v63  }
0x15b: {  	s26 =	simm.s32 $0x3600  }
0x15c: {  	[tilespmem:s26], [sflag:$0x1] =	stream.indirect_vreg.gather [hbm4b:s7+s0], $0x80, v3, vm0, $0xb8;
	[tilespmem:$0x18600] =	vst v63  }
0x15d: {  	s26 =	simm.s32 $0x3E00  }
0x15e: {  	[tilespmem:s26], [sflag:$0x1] =	stream.indirect_vreg.gather [hbm4b:s9+s0], $0x80, v3, vm0, $0xb8;
	[tilespmem:$0x18600] =	vst v63  }
0x15f: {  	v3 =	vld [tilespmem:$0x390];
	_ =	sdelay $0x4  }
0x160: {  	v63 =	vshll.u32 v3, $0x3  }
0x161: {  	v3 =	vand.u32 $0x7, v3;
	v4 =	vand.u32 $0xFFFFFFC0, v63  }
0x162: {  	v3 =	vor.u32 v3, v4  }
0x163: {  	v4 =	vperm.xlane v3, v0;
	_ =	sdelay $0x1  }
0x164: {  	v4 =	vadd.s32 v1, v4;
	_ =	sdelay $0x3  }
0x165: {  	s26 =	simm.s32 $0x4600  }
0x166: {  	[tilespmem:s26], [sflag:$0x1] =	stream.indirect_vreg.gather [hbm4b:s1+s0], $0x80, v4, vm0, $0xb8;
	[tilespmem:$0x18600] =	vst v63  }
0x167: {  	v3 =	vperm.xlane v3, v2;
	s26 =	simm.s32 $0x4E00  }
0x168: {  	[tilespmem:s26], [sflag:$0x1] =	stream.indirect_vreg.gather [hbm4b:s6+s0], $0x80, v4, vm0, $0xb8;
	[tilespmem:$0x18600] =	vst v63  }
0x169: {  	v3 =	vadd.s32 v1, v3;
	s26 =	simm.s32 $0x5600  }
0x16a: {  	[tilespmem:s26], [sflag:$0x1] =	stream.indirect_vreg.gather [hbm4b:s7+s0], $0x80, v4, vm0, $0xb8;
	[tilespmem:$0x18600] =	vst v63  }
0x16b: {  	s26 =	simm.s32 $0x5E00  }
0x16c: {  	[tilespmem:s26], [sflag:$0x1] =	stream.indirect_vreg.gather [hbm4b:s9+s0], $0x80, v4, vm0, $0xb8;
	[tilespmem:$0x18600] =	vst v63  }
0x16d: {  	s26 =	simm.s32 $0x6600  }
0x16e: {  	[tilespmem:s26], [sflag:$0x1] =	stream.indirect_vreg.gather [hbm4b:s1+s0], $0x80, v3, vm0, $0xb8;
	[tilespmem:$0x18600] =	vst v63  }
0x16f: {  	s26 =	simm.s32 $0x6E00  }
0x170: {  	[tilespmem:s26], [sflag:$0x1] =	stream.indirect_vreg.gather [hbm4b:s6+s0], $0x80, v3, vm0, $0xb8;
	[tilespmem:$0x18600] =	vst v63  }
0x171: {  	s26 =	simm.s32 $0x7600  }
0x172: {  	[tilespmem:s26], [sflag:$0x1] =	stream.indirect_vreg.gather [hbm4b:s7+s0], $0x80, v3, vm0, $0xb8;
	[tilespmem:$0x18600] =	vst v63  }
0x173: {  	s26 =	simm.s32 $0x7E00  }
0x174: {  	[tilespmem:s26], [sflag:$0x1] =	stream.indirect_vreg.gather [hbm4b:s9+s0], $0x80, v3, vm0, $0xb8;
	[tilespmem:$0x18600] =	vst v63  }
0x175: {  	_ =	swait.ge [sflag:s22], $0x8000  }
0x176: {  	[sflag:s22] =	ssyncset.done $0x0  }
0x177: {  	s26 =	simm.s32 $0x10600;
	[sflag:s22] =	ssyncadd.s32 $0xFFFF8000  }
0x178: {  	[hbm4b:s11+s17] =	stream.strided.scatter [tilespmem:s26], [sflag:$0x6], $0x400, s19, s17, $0x38;
	[tilespmem:$0x18600] =	vst v63  }
0x179: {  	s2 =	simm.s32 $0x10A00;
	s26 =	sadd.s32 $0x10, s11  }
0x17a: {  	[hbm4b:s26+s17] =	stream.strided.scatter [tilespmem:s2], [sflag:$0x6], $0x400, s19, s17, $0x38;
	[tilespmem:$0x18600] =	vst v63  }
0x17b: {  	s2 =	simm.s32 $0x10E00;
	s26 =	sadd.s32 $0x20, s11  }
0x17c: {  	[hbm4b:s26+s17] =	stream.strided.scatter [tilespmem:s2], [sflag:$0x6], $0x400, s19, s17, $0x38;
	[tilespmem:$0x18600] =	vst v63  }
0x17d: {  	s2 =	simm.s32 $0x11200;
	s26 =	sadd.s32 $0x30, s11  }
0x17e: {  	[hbm4b:s26+s17] =	stream.strided.scatter [tilespmem:s2], [sflag:$0x6], $0x400, s19, s17, $0x38;
	[tilespmem:$0x18600] =	vst v63  }
0x17f: {  	s2 =	simm.s32 $0x11600;
	s26 =	sadd.s32 $0x40, s11  }
0x180: {  	[hbm4b:s26+s17] =	stream.strided.scatter [tilespmem:s2], [sflag:$0x6], $0x400, s19, s17, $0x38;
	[tilespmem:$0x18600] =	vst v63  }
0x181: {  	s29 =	simm.s32 $0x10000;
	s2 =	simm.s32 $0x11A00;
	s26 =	sadd.s32 $0x50, s11  }
0x182: {  	[hbm4b:s26+s17] =	stream.strided.scatter [tilespmem:s2], [sflag:$0x6], $0x400, s19, s17, $0x38;
	[tilespmem:$0x18600] =	vst v63  }
0x183: {  	s30 =	simm.s32 $0x12200;
	s2 =	simm.s32 $0x11E00;
	s26 =	sadd.s32 $0x60, s11  }
0x184: {  	[hbm4b:s26+s17] =	stream.strided.scatter [tilespmem:s2], [sflag:$0x6], $0x400, s19, s17, $0x38;
	[tilespmem:$0x18600] =	vst v63  }
0x185: {  	s31 =	sadd.s32 $0x70, s11;
	s28 =	sadd.s32 $0x400, s11;
	s26 =	simm.s32 $0x2000  }
.LBB2_6:
0x186: {  	[hbm4b:s31+s17] =	stream.strided.scatter [tilespmem:s30], [sflag:$0x6], $0x400, s19, s17, $0x38;
	[tilespmem:$0x18600] =	vst v63  }
0x187: {  	s0 =	smov.u32 s26;
	s2 =	smov.u32 s29  }
0x188: {  	s26 =	sshra.s32 s2, $0x2;
	s2 =	sadd.s32 $0x8000, s29;
	s30 =	sadd.s32 $0x10600, s0  }
0x189: {  	[hbm4b:s28+s17] =	stream.strided.scatter [tilespmem:s30], [sflag:$0x6], $0x400, s19, s17, $0x38;
	[tilespmem:$0x18600] =	vst v63  }
0x18a: {  	p0 =	sne.s32 s29, $0x18000;
	s29 =	sadd.s32 $0x10A00, s0;
	s30 =	sadd.s32 $0x10, s28  }
0x18b: {  	[hbm4b:s30+s17] =	stream.strided.scatter [tilespmem:s29], [sflag:$0x6], $0x400, s19, s17, $0x38;
	[tilespmem:$0x18600] =	vst v63  }
0x18c: {  	s29 =	sadd.s32 $0x10E00, s0;
	s30 =	sadd.s32 $0x20, s28  }
0x18d: {  	[hbm4b:s30+s17] =	stream.strided.scatter [tilespmem:s29], [sflag:$0x6], $0x400, s19, s17, $0x38;
	[tilespmem:$0x18600] =	vst v63  }
0x18e: {  	s29 =	sadd.s32 $0x11200, s0;
	s30 =	sadd.s32 $0x30, s28  }
0x18f: {  	[hbm4b:s30+s17] =	stream.strided.scatter [tilespmem:s29], [sflag:$0x6], $0x400, s19, s17, $0x38;
	[tilespmem:$0x18600] =	vst v63  }
0x190: {  	s29 =	sadd.s32 $0x11600, s0;
	s30 =	sadd.s32 $0x40, s28  }
0x191: {  	[hbm4b:s30+s17] =	stream.strided.scatter [tilespmem:s29], [sflag:$0x6], $0x400, s19, s17, $0x38;
	[tilespmem:$0x18600] =	vst v63  }
.Ltmp2:
0x192: {  	s29 =	sadd.s32 $0x11A00, s0;
	s30 =	sadd.s32 $0x50, s28;
	(pc) =	sbr.rel @p0 .LBB2_6-.Ltmp2, $4  }
0x193: {  	[hbm4b:s30+s17] =	stream.strided.scatter [tilespmem:s29], [sflag:$0x6], $0x400, s19, s17, $0x38;
	[tilespmem:$0x18600] =	vst v63  }
0x194: {  	s31 =	sadd.s32 $0x70, s28;
	s29 =	sadd.s32 $0x11E00, s0;
	s30 =	sadd.s32 $0x60, s28  }
0x195: {  	[hbm4b:s30+s17] =	stream.strided.scatter [tilespmem:s29], [sflag:$0x6], $0x400, s19, s17, $0x38;
	[tilespmem:$0x18600] =	vst v63  }
0x196: {  	s28 =	sadd.s32 $0x400, s28;
	s30 =	sadd.s32 $0x12200, s0;
	s29 =	smov.u32 s2  }
0x197: {  	[hbm4b:s31+s17] =	stream.strided.scatter [tilespmem:s30], [sflag:$0x6], $0x400, s19, s17, $0x38;
	[tilespmem:$0x18600] =	vst v63  }
0x198: {  	s0 =	sadd.s32 $0x10600, s26  }
0x199: {  	[hbm4b:s28+s17] =	stream.strided.scatter [tilespmem:s0], [sflag:$0x6], $0x400, s19, s17, $0x38;
	[tilespmem:$0x18600] =	vst v63  }
0x19a: {  	s2 =	sadd.s32 $0x10, s28;
	s0 =	sadd.s32 $0x10A00, s26  }
0x19b: {  	[hbm4b:s2+s17] =	stream.strided.scatter [tilespmem:s0], [sflag:$0x6], $0x400, s19, s17, $0x38;
	[tilespmem:$0x18600] =	vst v63  }
0x19c: {  	s0 =	sadd.s32 $0x10E00, s26;
	s2 =	sadd.s32 $0x20, s28  }
0x19d: {  	[hbm4b:s2+s17] =	stream.strided.scatter [tilespmem:s0], [sflag:$0x6], $0x400, s19, s17, $0x38;
	[tilespmem:$0x18600] =	vst v63  }
0x19e: {  	s0 =	sadd.s32 $0x11200, s26;
	s2 =	sadd.s32 $0x30, s28  }
0x19f: {  	[hbm4b:s2+s17] =	stream.strided.scatter [tilespmem:s0], [sflag:$0x6], $0x400, s19, s17, $0x38;
	[tilespmem:$0x18600] =	vst v63  }
0x1a0: {  	s0 =	sadd.s32 $0x11600, s26;
	s2 =	sadd.s32 $0x40, s28  }
0x1a1: {  	[hbm4b:s2+s17] =	stream.strided.scatter [tilespmem:s0], [sflag:$0x6], $0x400, s19, s17, $0x38;
	[tilespmem:$0x18600] =	vst v63  }
0x1a2: {  	s0 =	sadd.s32 $0x11A00, s26;
	s2 =	sadd.s32 $0x50, s28  }
0x1a3: {  	[hbm4b:s2+s17] =	stream.strided.scatter [tilespmem:s0], [sflag:$0x6], $0x400, s19, s17, $0x38;
	[tilespmem:$0x18600] =	vst v63  }
0x1a4: {  	s0 =	sadd.s32 $0x11E00, s26;
	s2 =	sadd.s32 $0x60, s28  }
0x1a5: {  	[hbm4b:s2+s17] =	stream.strided.scatter [tilespmem:s0], [sflag:$0x6], $0x400, s19, s17, $0x38;
	[tilespmem:$0x18600] =	vst v63  }
0x1a6: {  	s2 =	sadd.s32 $0x12200, s26;
	s26 =	sadd.s32 $0x70, s28  }
0x1a7: {  	[hbm4b:s26+s17] =	stream.strided.scatter [tilespmem:s2], [sflag:$0x6], $0x400, s19, s17, $0x38;
	[tilespmem:$0x18600] =	vst v63  }
0x1a8: {  	_ =	swait.ge [sflag:s23], $0x8000  }
0x1a9: {  	[sflag:s23] =	ssyncset.done $0x0  }
0x1aa: {  	[sflag:s23] =	ssyncadd.s32 $0xFFFF8000  }
0x1ab: {  	v3 =	vld [tilespmem:$0x400];
	_ =	sdelay $0x4  }
0x1ac: {  	v4 =	vshll.u32 v3, $0x3  }
0x1ad: {  	v3 =	vand.u32 $0x7, v3;
	v4 =	vand.u32 $0xFFFFFFC0, v4  }
0x1ae: {  	v3 =	vor.u32 v3, v4  }
0x1af: {  	v4 =	vperm.xlane v3, v0;
	_ =	sdelay $0x1  }
0x1b0: {  	v4 =	vadd.s32 v1, v4;
	_ =	sdelay $0x3  }
0x1b1: {  	s0 =	simm.s32 $0x0;
	s26 =	simm.s32 $0x8600  }
0x1b2: {  	[tilespmem:s26], [sflag:$0x2] =	stream.indirect_vreg.gather [hbm4b:s1+s0], $0x80, v4, vm0, $0xb8;
	[tilespmem:$0x18600] =	vst v63  }
0x1b3: {  	v3 =	vperm.xlane v3, v2;
	s26 =	simm.s32 $0x8E00  }
0x1b4: {  	[tilespmem:s26], [sflag:$0x2] =	stream.indirect_vreg.gather [hbm4b:s6+s0], $0x80, v4, vm0, $0xb8;
	[tilespmem:$0x18600] =	vst v63  }
0x1b5: {  	v3 =	vadd.s32 v1, v3;
	s26 =	simm.s32 $0x9600  }
0x1b6: {  	[tilespmem:s26], [sflag:$0x2] =	stream.indirect_vreg.gather [hbm4b:s7+s0], $0x80, v4, vm0, $0xb8;
	[tilespmem:$0x18600] =	vst v63  }
0x1b7: {  	s26 =	simm.s32 $0x9E00  }
0x1b8: {  	[tilespmem:s26], [sflag:$0x2] =	stream.indirect_vreg.gather [hbm4b:s9+s0], $0x80, v4, vm0, $0xb8;
	[tilespmem:$0x18600] =	vst v63  }
0x1b9: {  	s26 =	simm.s32 $0xA600  }
0x1ba: {  	[tilespmem:s26], [sflag:$0x2] =	stream.indirect_vreg.gather [hbm4b:s1+s0], $0x80, v3, vm0, $0xb8;
	[tilespmem:$0x18600] =	vst v63  }
0x1bb: {  	s26 =	simm.s32 $0xAE00  }
0x1bc: {  	[tilespmem:s26], [sflag:$0x2] =	stream.indirect_vreg.gather [hbm4b:s6+s0], $0x80, v3, vm0, $0xb8;
	[tilespmem:$0x18600] =	vst v63  }
0x1bd: {  	s26 =	simm.s32 $0xB600  }
0x1be: {  	[tilespmem:s26], [sflag:$0x2] =	stream.indirect_vreg.gather [hbm4b:s7+s0], $0x80, v3, vm0, $0xb8;
	[tilespmem:$0x18600] =	vst v63  }
0x1bf: {  	s26 =	simm.s32 $0xBE00  }
0x1c0: {  	[tilespmem:s26], [sflag:$0x2] =	stream.indirect_vreg.gather [hbm4b:s9+s0], $0x80, v3, vm0, $0xb8;
	[tilespmem:$0x18600] =	vst v63  }
0x1c1: {  	v3 =	vld [tilespmem:$0x410];
	_ =	sdelay $0x4  }
0x1c2: {  	v63 =	vshll.u32 v3, $0x3  }
0x1c3: {  	v3 =	vand.u32 $0x7, v3;
	v4 =	vand.u32 $0xFFFFFFC0, v63  }
0x1c4: {  	v3 =	vor.u32 v3, v4  }
0x1c5: {  	v4 =	vperm.xlane v3, v0;
	_ =	sdelay $0x1  }
0x1c6: {  	v4 =	vadd.s32 v1, v4;
	_ =	sdelay $0x3  }
0x1c7: {  	s26 =	simm.s32 $0xC600  }
0x1c8: {  	[tilespmem:s26], [sflag:$0x2] =	stream.indirect_vreg.gather [hbm4b:s1+s0], $0x80, v4, vm0, $0xb8;
	[tilespmem:$0x18600] =	vst v63  }
0x1c9: {  	v3 =	vperm.xlane v3, v2;
	s26 =	simm.s32 $0xCE00  }
0x1ca: {  	[tilespmem:s26], [sflag:$0x2] =	stream.indirect_vreg.gather [hbm4b:s6+s0], $0x80, v4, vm0, $0xb8;
	[tilespmem:$0x18600] =	vst v63  }
0x1cb: {  	v3 =	vadd.s32 v1, v3;
	s26 =	simm.s32 $0xD600  }
0x1cc: {  	[tilespmem:s26], [sflag:$0x2] =	stream.indirect_vreg.gather [hbm4b:s7+s0], $0x80, v4, vm0, $0xb8;
	[tilespmem:$0x18600] =	vst v63  }
0x1cd: {  	s26 =	simm.s32 $0xDE00  }
0x1ce: {  	[tilespmem:s26], [sflag:$0x2] =	stream.indirect_vreg.gather [hbm4b:s9+s0], $0x80, v4, vm0, $0xb8;
	[tilespmem:$0x18600] =	vst v63  }
0x1cf: {  	s26 =	simm.s32 $0xE600  }
0x1d0: {  	[tilespmem:s26], [sflag:$0x2] =	stream.indirect_vreg.gather [hbm4b:s1+s0], $0x80, v3, vm0, $0xb8;
	[tilespmem:$0x18600] =	vst v63  }
0x1d1: {  	s26 =	simm.s32 $0xEE00  }
0x1d2: {  	[tilespmem:s26], [sflag:$0x2] =	stream.indirect_vreg.gather [hbm4b:s6+s0], $0x80, v3, vm0, $0xb8;
	[tilespmem:$0x18600] =	vst v63  }
0x1d3: {  	_ = 	snop  }
0x1d4: {  	[tilespmem:s18], [sflag:$0x2] =	stream.indirect_vreg.gather [hbm4b:s7+s0], $0x80, v3, vm0, $0xb8;
	[tilespmem:$0x18600] =	vst v63  }
0x1d5: {  	_ = 	snop  }
0x1d6: {  	[tilespmem:s4], [sflag:$0x2] =	stream.indirect_vreg.gather [hbm4b:s9+s0], $0x80, v3, vm0, $0xb8;
	[tilespmem:$0x18600] =	vst v63  }
0x1d7: {  	_ =	swait.ge [sflag:s5], $0x8000  }
0x1d8: {  	[sflag:s5] =	ssyncset.done $0x0  }
0x1d9: {  	s26 =	simm.s32 $0x600;
	[sflag:s5] =	ssyncadd.s32 $0xFFFF8000  }
0x1da: {  	[hbm4b:s12+s17] =	stream.strided.scatter [tilespmem:s26], [sflag:$0x4], $0x400, s19, s17, $0x38;
	[tilespmem:$0x18600] =	vst v63  }
0x1db: {  	s2 =	simm.s32 $0xA00;
	s26 =	sadd.s32 $0x10, s12  }
0x1dc: {  	[hbm4b:s26+s17] =	stream.strided.scatter [tilespmem:s2], [sflag:$0x4], $0x400, s19, s17, $0x38;
	[tilespmem:$0x18600] =	vst v63  }
0x1dd: {  	s2 =	simm.s32 $0xE00;
	s26 =	sadd.s32 $0x20, s12  }
0x1de: {  	[hbm4b:s26+s17] =	stream.strided.scatter [tilespmem:s2], [sflag:$0x4], $0x400, s19, s17, $0x38;
	[tilespmem:$0x18600] =	vst v63  }
0x1df: {  	s2 =	simm.s32 $0x1200;
	s26 =	sadd.s32 $0x30, s12  }
0x1e0: {  	[hbm4b:s26+s17] =	stream.strided.scatter [tilespmem:s2], [sflag:$0x4], $0x400, s19, s17, $0x38;
	[tilespmem:$0x18600] =	vst v63  }
0x1e1: {  	s2 =	simm.s32 $0x1600;
	s26 =	sadd.s32 $0x40, s12  }
0x1e2: {  	[hbm4b:s26+s17] =	stream.strided.scatter [tilespmem:s2], [sflag:$0x4], $0x400, s19, s17, $0x38;
	[tilespmem:$0x18600] =	vst v63  }
0x1e3: {  	s29 =	simm.s32 $0x10000;
	s2 =	simm.s32 $0x1A00;
	s26 =	sadd.s32 $0x50, s12  }
0x1e4: {  	[hbm4b:s26+s17] =	stream.strided.scatter [tilespmem:s2], [sflag:$0x4], $0x400, s19, s17, $0x38;
	[tilespmem:$0x18600] =	vst v63  }
0x1e5: {  	s30 =	simm.s32 $0x2200;
	s2 =	simm.s32 $0x1E00;
	s26 =	sadd.s32 $0x60, s12  }
0x1e6: {  	[hbm4b:s26+s17] =	stream.strided.scatter [tilespmem:s2], [sflag:$0x4], $0x400, s19, s17, $0x38;
	[tilespmem:$0x18600] =	vst v63  }
0x1e7: {  	s31 =	sadd.s32 $0x70, s12;
	s28 =	sadd.s32 $0x400, s12;
	s26 =	simm.s32 $0x2000  }
.LBB2_8:
0x1e8: {  	[hbm4b:s31+s17] =	stream.strided.scatter [tilespmem:s30], [sflag:$0x4], $0x400, s19, s17, $0x38;
	[tilespmem:$0x18600] =	vst v63  }
0x1e9: {  	s0 =	smov.u32 s26;
	s2 =	smov.u32 s29  }
0x1ea: {  	s26 =	sshra.s32 s2, $0x2;
	s2 =	sadd.s32 $0x8000, s29;
	s30 =	sadd.s32 $0x600, s0  }
0x1eb: {  	[hbm4b:s28+s17] =	stream.strided.scatter [tilespmem:s30], [sflag:$0x4], $0x400, s19, s17, $0x38;
	[tilespmem:$0x18600] =	vst v63  }
0x1ec: {  	p0 =	sne.s32 s29, $0x18000;
	s29 =	sadd.s32 $0xA00, s0;
	s30 =	sadd.s32 $0x10, s28  }
0x1ed: {  	[hbm4b:s30+s17] =	stream.strided.scatter [tilespmem:s29], [sflag:$0x4], $0x400, s19, s17, $0x38;
	[tilespmem:$0x18600] =	vst v63  }
0x1ee: {  	s29 =	sadd.s32 $0xE00, s0;
	s30 =	sadd.s32 $0x20, s28  }
0x1ef: {  	[hbm4b:s30+s17] =	stream.strided.scatter [tilespmem:s29], [sflag:$0x4], $0x400, s19, s17, $0x38;
	[tilespmem:$0x18600] =	vst v63  }
0x1f0: {  	s29 =	sadd.s32 $0x1200, s0;
	s30 =	sadd.s32 $0x30, s28  }
0x1f1: {  	[hbm4b:s30+s17] =	stream.strided.scatter [tilespmem:s29], [sflag:$0x4], $0x400, s19, s17, $0x38;
	[tilespmem:$0x18600] =	vst v63  }
0x1f2: {  	s29 =	sadd.s32 $0x1600, s0;
	s30 =	sadd.s32 $0x40, s28  }
0x1f3: {  	[hbm4b:s30+s17] =	stream.strided.scatter [tilespmem:s29], [sflag:$0x4], $0x400, s19, s17, $0x38;
	[tilespmem:$0x18600] =	vst v63  }
.Ltmp3:
0x1f4: {  	s29 =	sadd.s32 $0x1A00, s0;
	s30 =	sadd.s32 $0x50, s28;
	(pc) =	sbr.rel @p0 .LBB2_8-.Ltmp3, $4  }
0x1f5: {  	[hbm4b:s30+s17] =	stream.strided.scatter [tilespmem:s29], [sflag:$0x4], $0x400, s19, s17, $0x38;
	[tilespmem:$0x18600] =	vst v63  }
0x1f6: {  	s31 =	sadd.s32 $0x70, s28;
	s29 =	sadd.s32 $0x1E00, s0;
	s30 =	sadd.s32 $0x60, s28  }
0x1f7: {  	[hbm4b:s30+s17] =	stream.strided.scatter [tilespmem:s29], [sflag:$0x4], $0x400, s19, s17, $0x38;
	[tilespmem:$0x18600] =	vst v63  }
0x1f8: {  	s28 =	sadd.s32 $0x400, s28;
	s30 =	sadd.s32 $0x2200, s0;
	s29 =	smov.u32 s2  }
0x1f9: {  	[hbm4b:s31+s17] =	stream.strided.scatter [tilespmem:s30], [sflag:$0x4], $0x400, s19, s17, $0x38;
	[tilespmem:$0x18600] =	vst v63  }
0x1fa: {  	s0 =	sadd.s32 $0x600, s26  }
0x1fb: {  	[hbm4b:s28+s17] =	stream.strided.scatter [tilespmem:s0], [sflag:$0x4], $0x400, s19, s17, $0x38;
	[tilespmem:$0x18600] =	vst v63  }
0x1fc: {  	s2 =	sadd.s32 $0x10, s28;
	s0 =	sadd.s32 $0xA00, s26  }
0x1fd: {  	[hbm4b:s2+s17] =	stream.strided.scatter [tilespmem:s0], [sflag:$0x4], $0x400, s19, s17, $0x38;
	[tilespmem:$0x18600] =	vst v63  }
0x1fe: {  	s0 =	sadd.s32 $0xE00, s26;
	s2 =	sadd.s32 $0x20, s28  }
0x1ff: {  	[hbm4b:s2+s17] =	stream.strided.scatter [tilespmem:s0], [sflag:$0x4], $0x400, s19, s17, $0x38;
	[tilespmem:$0x18600] =	vst v63  }
0x200: {  	s0 =	sadd.s32 $0x1200, s26;
	s2 =	sadd.s32 $0x30, s28  }
0x201: {  	[hbm4b:s2+s17] =	stream.strided.scatter [tilespmem:s0], [sflag:$0x4], $0x400, s19, s17, $0x38;
	[tilespmem:$0x18600] =	vst v63  }
0x202: {  	s0 =	sadd.s32 $0x1600, s26;
	s2 =	sadd.s32 $0x40, s28  }
0x203: {  	[hbm4b:s2+s17] =	stream.strided.scatter [tilespmem:s0], [sflag:$0x4], $0x400, s19, s17, $0x38;
	[tilespmem:$0x18600] =	vst v63  }
0x204: {  	s0 =	sadd.s32 $0x1A00, s26;
	s2 =	sadd.s32 $0x50, s28  }
0x205: {  	[hbm4b:s2+s17] =	stream.strided.scatter [tilespmem:s0], [sflag:$0x4], $0x400, s19, s17, $0x38;
	[tilespmem:$0x18600] =	vst v63  }
0x206: {  	s0 =	sadd.s32 $0x1E00, s26;
	s2 =	sadd.s32 $0x60, s28  }
0x207: {  	[hbm4b:s2+s17] =	stream.strided.scatter [tilespmem:s0], [sflag:$0x4], $0x400, s19, s17, $0x38;
	[tilespmem:$0x18600] =	vst v63  }
0x208: {  	s2 =	sadd.s32 $0x2200, s26;
	s26 =	sadd.s32 $0x70, s28  }
0x209: {  	[hbm4b:s26+s17] =	stream.strided.scatter [tilespmem:s2], [sflag:$0x4], $0x400, s19, s17, $0x38;
	[tilespmem:$0x18600] =	vst v63  }
0x20a: {  	_ =	swait.ge [sflag:s24], $0x8000  }
0x20b: {  	[sflag:s24] =	ssyncset.done $0x0  }
0x20c: {  	[sflag:s24] =	ssyncadd.s32 $0xFFFF8000  }
0x20d: {  	v3 =	vld [tilespmem:$0x480];
	_ =	sdelay $0x4  }
0x20e: {  	v4 =	vshll.u32 v3, $0x3  }
0x20f: {  	v3 =	vand.u32 $0x7, v3;
	v4 =	vand.u32 $0xFFFFFFC0, v4  }
0x210: {  	v3 =	vor.u32 v3, v4  }
0x211: {  	v4 =	vperm.xlane v3, v0;
	_ =	sdelay $0x1  }
0x212: {  	v4 =	vadd.s32 v1, v4;
	_ =	sdelay $0x3  }
0x213: {  	s0 =	simm.s32 $0x0;
	s26 =	simm.s32 $0x10600  }
0x214: {  	[tilespmem:s26], [sflag:$0x3] =	stream.indirect_vreg.gather [hbm4b:s1+s0], $0x80, v4, vm0, $0xb8;
	[tilespmem:$0x18600] =	vst v63  }
0x215: {  	v3 =	vperm.xlane v3, v2;
	s26 =	simm.s32 $0x10E00  }
0x216: {  	[tilespmem:s26], [sflag:$0x3] =	stream.indirect_vreg.gather [hbm4b:s6+s0], $0x80, v4, vm0, $0xb8;
	[tilespmem:$0x18600] =	vst v63  }
0x217: {  	v3 =	vadd.s32 v1, v3;
	s26 =	simm.s32 $0x11600  }
0x218: {  	[tilespmem:s26], [sflag:$0x3] =	stream.indirect_vreg.gather [hbm4b:s7+s0], $0x80, v4, vm0, $0xb8;
	[tilespmem:$0x18600] =	vst v63  }
0x219: {  	s26 =	simm.s32 $0x11E00  }
0x21a: {  	[tilespmem:s26], [sflag:$0x3] =	stream.indirect_vreg.gather [hbm4b:s9+s0], $0x80, v4, vm0, $0xb8;
	[tilespmem:$0x18600] =	vst v63  }
0x21b: {  	s26 =	simm.s32 $0x12600  }
0x21c: {  	[tilespmem:s26], [sflag:$0x3] =	stream.indirect_vreg.gather [hbm4b:s1+s0], $0x80, v3, vm0, $0xb8;
	[tilespmem:$0x18600] =	vst v63  }
0x21d: {  	s26 =	simm.s32 $0x12E00  }
0x21e: {  	[tilespmem:s26], [sflag:$0x3] =	stream.indirect_vreg.gather [hbm4b:s6+s0], $0x80, v3, vm0, $0xb8;
	[tilespmem:$0x18600] =	vst v63  }
0x21f: {  	s26 =	simm.s32 $0x13600  }
0x220: {  	[tilespmem:s26], [sflag:$0x3] =	stream.indirect_vreg.gather [hbm4b:s7+s0], $0x80, v3, vm0, $0xb8;
	[tilespmem:$0x18600] =	vst v63  }
0x221: {  	s26 =	simm.s32 $0x13E00  }
0x222: {  	[tilespmem:s26], [sflag:$0x3] =	stream.indirect_vreg.gather [hbm4b:s9+s0], $0x80, v3, vm0, $0xb8;
	[tilespmem:$0x18600] =	vst v63  }
0x223: {  	v3 =	vld [tilespmem:$0x490];
	_ =	sdelay $0x4  }
0x224: {  	v63 =	vshll.u32 v3, $0x3  }
0x225: {  	v3 =	vand.u32 $0x7, v3;
	v4 =	vand.u32 $0xFFFFFFC0, v63  }
0x226: {  	v3 =	vor.u32 v3, v4  }
0x227: {  	v4 =	vperm.xlane v3, v0;
	_ =	sdelay $0x1  }
0x228: {  	v4 =	vadd.s32 v1, v4;
	_ =	sdelay $0x3  }
0x229: {  	s26 =	simm.s32 $0x14600  }
0x22a: {  	[tilespmem:s26], [sflag:$0x3] =	stream.indirect_vreg.gather [hbm4b:s1+s0], $0x80, v4, vm0, $0xb8;
	[tilespmem:$0x18600] =	vst v63  }
0x22b: {  	v3 =	vperm.xlane v3, v2;
	s26 =	simm.s32 $0x14E00  }
0x22c: {  	[tilespmem:s26], [sflag:$0x3] =	stream.indirect_vreg.gather [hbm4b:s6+s0], $0x80, v4, vm0, $0xb8;
	[tilespmem:$0x18600] =	vst v63  }
0x22d: {  	v3 =	vadd.s32 v1, v3;
	s26 =	simm.s32 $0x15600  }
0x22e: {  	[tilespmem:s26], [sflag:$0x3] =	stream.indirect_vreg.gather [hbm4b:s7+s0], $0x80, v4, vm0, $0xb8;
	[tilespmem:$0x18600] =	vst v63  }
0x22f: {  	s26 =	simm.s32 $0x15E00  }
0x230: {  	[tilespmem:s26], [sflag:$0x3] =	stream.indirect_vreg.gather [hbm4b:s9+s0], $0x80, v4, vm0, $0xb8;
	[tilespmem:$0x18600] =	vst v63  }
0x231: {  	s26 =	simm.s32 $0x16600  }
0x232: {  	[tilespmem:s26], [sflag:$0x3] =	stream.indirect_vreg.gather [hbm4b:s1+s0], $0x80, v3, vm0, $0xb8;
	[tilespmem:$0x18600] =	vst v63  }
0x233: {  	s26 =	simm.s32 $0x16E00  }
0x234: {  	[tilespmem:s26], [sflag:$0x3] =	stream.indirect_vreg.gather [hbm4b:s6+s0], $0x80, v3, vm0, $0xb8;
	[tilespmem:$0x18600] =	vst v63  }
0x235: {  	s26 =	simm.s32 $0x17600  }
0x236: {  	[tilespmem:s26], [sflag:$0x3] =	stream.indirect_vreg.gather [hbm4b:s7+s0], $0x80, v3, vm0, $0xb8;
	[tilespmem:$0x18600] =	vst v63  }
0x237: {  	s26 =	simm.s32 $0x17E00  }
0x238: {  	[tilespmem:s26], [sflag:$0x3] =	stream.indirect_vreg.gather [hbm4b:s9+s0], $0x80, v3, vm0, $0xb8;
	[tilespmem:$0x18600] =	vst v63  }
0x239: {  	_ =	swait.ge [sflag:s20], $0x8000  }
0x23a: {  	[sflag:s20] =	ssyncset.done $0x0  }
0x23b: {  	s26 =	simm.s32 $0x8600;
	[sflag:s20] =	ssyncadd.s32 $0xFFFF8000  }
0x23c: {  	[hbm4b:s13+s17] =	stream.strided.scatter [tilespmem:s26], [sflag:$0x5], $0x400, s19, s17, $0x38;
	[tilespmem:$0x18600] =	vst v63  }
0x23d: {  	s2 =	simm.s32 $0x8A00;
	s26 =	sadd.s32 $0x10, s13  }
0x23e: {  	[hbm4b:s26+s17] =	stream.strided.scatter [tilespmem:s2], [sflag:$0x5], $0x400, s19, s17, $0x38;
	[tilespmem:$0x18600] =	vst v63  }
0x23f: {  	s2 =	simm.s32 $0x8E00;
	s26 =	sadd.s32 $0x20, s13  }
0x240: {  	[hbm4b:s26+s17] =	stream.strided.scatter [tilespmem:s2], [sflag:$0x5], $0x400, s19, s17, $0x38;
	[tilespmem:$0x18600] =	vst v63  }
0x241: {  	s2 =	simm.s32 $0x9200;
	s26 =	sadd.s32 $0x30, s13  }
0x242: {  	[hbm4b:s26+s17] =	stream.strided.scatter [tilespmem:s2], [sflag:$0x5], $0x400, s19, s17, $0x38;
	[tilespmem:$0x18600] =	vst v63  }
0x243: {  	s2 =	simm.s32 $0x9600;
	s26 =	sadd.s32 $0x40, s13  }
0x244: {  	[hbm4b:s26+s17] =	stream.strided.scatter [tilespmem:s2], [sflag:$0x5], $0x400, s19, s17, $0x38;
	[tilespmem:$0x18600] =	vst v63  }
0x245: {  	s29 =	simm.s32 $0x10000;
	s2 =	simm.s32 $0x9A00;
	s26 =	sadd.s32 $0x50, s13  }
0x246: {  	[hbm4b:s26+s17] =	stream.strided.scatter [tilespmem:s2], [sflag:$0x5], $0x400, s19, s17, $0x38;
	[tilespmem:$0x18600] =	vst v63  }
0x247: {  	s30 =	simm.s32 $0xA200;
	s2 =	simm.s32 $0x9E00;
	s26 =	sadd.s32 $0x60, s13  }
0x248: {  	[hbm4b:s26+s17] =	stream.strided.scatter [tilespmem:s2], [sflag:$0x5], $0x400, s19, s17, $0x38;
	[tilespmem:$0x18600] =	vst v63  }
0x249: {  	s31 =	sadd.s32 $0x70, s13;
	s28 =	sadd.s32 $0x400, s13;
	s26 =	simm.s32 $0x2000  }
.LBB2_10:
0x24a: {  	[hbm4b:s31+s17] =	stream.strided.scatter [tilespmem:s30], [sflag:$0x5], $0x400, s19, s17, $0x38;
	[tilespmem:$0x18600] =	vst v63  }
0x24b: {  	s0 =	smov.u32 s26;
	s2 =	smov.u32 s29  }
0x24c: {  	s26 =	sshra.s32 s2, $0x2;
	s2 =	sadd.s32 $0x8000, s29;
	s30 =	sadd.s32 $0x8600, s0  }
0x24d: {  	[hbm4b:s28+s17] =	stream.strided.scatter [tilespmem:s30], [sflag:$0x5], $0x400, s19, s17, $0x38;
	[tilespmem:$0x18600] =	vst v63  }
0x24e: {  	p0 =	sne.s32 s29, $0x18000;
	s29 =	sadd.s32 $0x8A00, s0;
	s30 =	sadd.s32 $0x10, s28  }
0x24f: {  	[hbm4b:s30+s17] =	stream.strided.scatter [tilespmem:s29], [sflag:$0x5], $0x400, s19, s17, $0x38;
	[tilespmem:$0x18600] =	vst v63  }
0x250: {  	s29 =	sadd.s32 $0x8E00, s0;
	s30 =	sadd.s32 $0x20, s28  }
0x251: {  	[hbm4b:s30+s17] =	stream.strided.scatter [tilespmem:s29], [sflag:$0x5], $0x400, s19, s17, $0x38;
	[tilespmem:$0x18600] =	vst v63  }
0x252: {  	s29 =	sadd.s32 $0x9200, s0;
	s30 =	sadd.s32 $0x30, s28  }
0x253: {  	[hbm4b:s30+s17] =	stream.strided.scatter [tilespmem:s29], [sflag:$0x5], $0x400, s19, s17, $0x38;
	[tilespmem:$0x18600] =	vst v63  }
0x254: {  	s29 =	sadd.s32 $0x9600, s0;
	s30 =	sadd.s32 $0x40, s28  }
0x255: {  	[hbm4b:s30+s17] =	stream.strided.scatter [tilespmem:s29], [sflag:$0x5], $0x400, s19, s17, $0x38;
	[tilespmem:$0x18600] =	vst v63  }
.Ltmp4:
0x256: {  	s29 =	sadd.s32 $0x9A00, s0;
	s30 =	sadd.s32 $0x50, s28;
	(pc) =	sbr.rel @p0 .LBB2_10-.Ltmp4, $4  }
0x257: {  	[hbm4b:s30+s17] =	stream.strided.scatter [tilespmem:s29], [sflag:$0x5], $0x400, s19, s17, $0x38;
	[tilespmem:$0x18600] =	vst v63  }
0x258: {  	s31 =	sadd.s32 $0x70, s28;
	s29 =	sadd.s32 $0x9E00, s0;
	s30 =	sadd.s32 $0x60, s28  }
0x259: {  	[hbm4b:s30+s17] =	stream.strided.scatter [tilespmem:s29], [sflag:$0x5], $0x400, s19, s17, $0x38;
	[tilespmem:$0x18600] =	vst v63  }
0x25a: {  	s28 =	sadd.s32 $0x400, s28;
	s30 =	sadd.s32 $0xA200, s0;
	s29 =	smov.u32 s2  }
0x25b: {  	[hbm4b:s31+s17] =	stream.strided.scatter [tilespmem:s30], [sflag:$0x5], $0x400, s19, s17, $0x38;
	[tilespmem:$0x18600] =	vst v63  }
0x25c: {  	s0 =	sadd.s32 $0x8600, s26  }
0x25d: {  	[hbm4b:s28+s17] =	stream.strided.scatter [tilespmem:s0], [sflag:$0x5], $0x400, s19, s17, $0x38;
	[tilespmem:$0x18600] =	vst v63  }
0x25e: {  	s2 =	sadd.s32 $0x10, s28;
	s0 =	sadd.s32 $0x8A00, s26  }
0x25f: {  	[hbm4b:s2+s17] =	stream.strided.scatter [tilespmem:s0], [sflag:$0x5], $0x400, s19, s17, $0x38;
	[tilespmem:$0x18600] =	vst v63  }
0x260: {  	s0 =	sadd.s32 $0x8E00, s26;
	s2 =	sadd.s32 $0x20, s28  }
0x261: {  	[hbm4b:s2+s17] =	stream.strided.scatter [tilespmem:s0], [sflag:$0x5], $0x400, s19, s17, $0x38;
	[tilespmem:$0x18600] =	vst v63  }
0x262: {  	s0 =	sadd.s32 $0x9200, s26;
	s2 =	sadd.s32 $0x30, s28  }
0x263: {  	[hbm4b:s2+s17] =	stream.strided.scatter [tilespmem:s0], [sflag:$0x5], $0x400, s19, s17, $0x38;
	[tilespmem:$0x18600] =	vst v63  }
0x264: {  	s0 =	sadd.s32 $0x9600, s26;
	s2 =	sadd.s32 $0x40, s28  }
0x265: {  	[hbm4b:s2+s17] =	stream.strided.scatter [tilespmem:s0], [sflag:$0x5], $0x400, s19, s17, $0x38;
	[tilespmem:$0x18600] =	vst v63  }
0x266: {  	s0 =	sadd.s32 $0x9A00, s26;
	s2 =	sadd.s32 $0x50, s28  }
0x267: {  	[hbm4b:s2+s17] =	stream.strided.scatter [tilespmem:s0], [sflag:$0x5], $0x400, s19, s17, $0x38;
	[tilespmem:$0x18600] =	vst v63  }
0x268: {  	s0 =	sadd.s32 $0x9E00, s26;
	s2 =	sadd.s32 $0x60, s28  }
0x269: {  	[hbm4b:s2+s17] =	stream.strided.scatter [tilespmem:s0], [sflag:$0x5], $0x400, s19, s17, $0x38;
	[tilespmem:$0x18600] =	vst v63  }
0x26a: {  	s2 =	sadd.s32 $0xA200, s26;
	s26 =	sadd.s32 $0x70, s28  }
0x26b: {  	[hbm4b:s26+s17] =	stream.strided.scatter [tilespmem:s2], [sflag:$0x5], $0x400, s19, s17, $0x38;
	[tilespmem:$0x18600] =	vst v63  }
0x26c: {  	_ =	swait.ge [sflag:s21], $0x8000  }
0x26d: {  	[sflag:s21] =	ssyncset.done $0x0  }
0x26e: {  	[sflag:s21] =	ssyncadd.s32 $0xFFFF8000  }
0x26f: {  	v3 =	vld [tilespmem:$0x500];
	_ =	sdelay $0x4  }
0x270: {  	v4 =	vshll.u32 v3, $0x3  }
0x271: {  	v3 =	vand.u32 $0x7, v3;
	v4 =	vand.u32 $0xFFFFFFC0, v4  }
0x272: {  	v3 =	vor.u32 v3, v4  }
0x273: {  	v4 =	vperm.xlane v3, v0;
	_ =	sdelay $0x1  }
0x274: {  	v4 =	vadd.s32 v1, v4;
	_ =	sdelay $0x3  }
0x275: {  	s0 =	simm.s32 $0x0;
	s26 =	simm.s32 $0x600  }
0x276: {  	[tilespmem:s26], [sflag:$0x1] =	stream.indirect_vreg.gather [hbm4b:s1+s0], $0x80, v4, vm0, $0xb8;
	[tilespmem:$0x18600] =	vst v63  }
0x277: {  	v3 =	vperm.xlane v3, v2;
	s26 =	simm.s32 $0xE00  }
0x278: {  	[tilespmem:s26], [sflag:$0x1] =	stream.indirect_vreg.gather [hbm4b:s6+s0], $0x80, v4, vm0, $0xb8;
	[tilespmem:$0x18600] =	vst v63  }
0x279: {  	v3 =	vadd.s32 v1, v3;
	s26 =	simm.s32 $0x1600  }
0x27a: {  	[tilespmem:s26], [sflag:$0x1] =	stream.indirect_vreg.gather [hbm4b:s7+s0], $0x80, v4, vm0, $0xb8;
	[tilespmem:$0x18600] =	vst v63  }
0x27b: {  	s26 =	simm.s32 $0x1E00  }
0x27c: {  	[tilespmem:s26], [sflag:$0x1] =	stream.indirect_vreg.gather [hbm4b:s9+s0], $0x80, v4, vm0, $0xb8;
	[tilespmem:$0x18600] =	vst v63  }
0x27d: {  	s26 =	simm.s32 $0x2600  }
0x27e: {  	[tilespmem:s26], [sflag:$0x1] =	stream.indirect_vreg.gather [hbm4b:s1+s0], $0x80, v3, vm0, $0xb8;
	[tilespmem:$0x18600] =	vst v63  }
0x27f: {  	s26 =	simm.s32 $0x2E00  }
0x280: {  	[tilespmem:s26], [sflag:$0x1] =	stream.indirect_vreg.gather [hbm4b:s6+s0], $0x80, v3, vm0, $0xb8;
	[tilespmem:$0x18600] =	vst v63  }
0x281: {  	s26 =	simm.s32 $0x3600  }
0x282: {  	[tilespmem:s26], [sflag:$0x1] =	stream.indirect_vreg.gather [hbm4b:s7+s0], $0x80, v3, vm0, $0xb8;
	[tilespmem:$0x18600] =	vst v63  }
0x283: {  	s26 =	simm.s32 $0x3E00  }
0x284: {  	[tilespmem:s26], [sflag:$0x1] =	stream.indirect_vreg.gather [hbm4b:s9+s0], $0x80, v3, vm0, $0xb8;
	[tilespmem:$0x18600] =	vst v63  }
0x285: {  	v3 =	vld [tilespmem:$0x510];
	_ =	sdelay $0x4  }
0x286: {  	v63 =	vshll.u32 v3, $0x3  }
0x287: {  	v3 =	vand.u32 $0x7, v3;
	v4 =	vand.u32 $0xFFFFFFC0, v63  }
0x288: {  	v3 =	vor.u32 v3, v4  }
0x289: {  	v4 =	vperm.xlane v3, v0;
	_ =	sdelay $0x1  }
0x28a: {  	v4 =	vadd.s32 v1, v4;
	_ =	sdelay $0x3  }
0x28b: {  	s26 =	simm.s32 $0x4600  }
0x28c: {  	[tilespmem:s26], [sflag:$0x1] =	stream.indirect_vreg.gather [hbm4b:s1+s0], $0x80, v4, vm0, $0xb8;
	[tilespmem:$0x18600] =	vst v63  }
0x28d: {  	v3 =	vperm.xlane v3, v2;
	s26 =	simm.s32 $0x4E00  }
0x28e: {  	[tilespmem:s26], [sflag:$0x1] =	stream.indirect_vreg.gather [hbm4b:s6+s0], $0x80, v4, vm0, $0xb8;
	[tilespmem:$0x18600] =	vst v63  }
0x28f: {  	v3 =	vadd.s32 v1, v3;
	s26 =	simm.s32 $0x5600  }
0x290: {  	[tilespmem:s26], [sflag:$0x1] =	stream.indirect_vreg.gather [hbm4b:s7+s0], $0x80, v4, vm0, $0xb8;
	[tilespmem:$0x18600] =	vst v63  }
0x291: {  	s26 =	simm.s32 $0x5E00  }
0x292: {  	[tilespmem:s26], [sflag:$0x1] =	stream.indirect_vreg.gather [hbm4b:s9+s0], $0x80, v4, vm0, $0xb8;
	[tilespmem:$0x18600] =	vst v63  }
0x293: {  	s26 =	simm.s32 $0x6600  }
0x294: {  	[tilespmem:s26], [sflag:$0x1] =	stream.indirect_vreg.gather [hbm4b:s1+s0], $0x80, v3, vm0, $0xb8;
	[tilespmem:$0x18600] =	vst v63  }
0x295: {  	s26 =	simm.s32 $0x6E00  }
0x296: {  	[tilespmem:s26], [sflag:$0x1] =	stream.indirect_vreg.gather [hbm4b:s6+s0], $0x80, v3, vm0, $0xb8;
	[tilespmem:$0x18600] =	vst v63  }
0x297: {  	s26 =	simm.s32 $0x7600  }
0x298: {  	[tilespmem:s26], [sflag:$0x1] =	stream.indirect_vreg.gather [hbm4b:s7+s0], $0x80, v3, vm0, $0xb8;
	[tilespmem:$0x18600] =	vst v63  }
0x299: {  	s26 =	simm.s32 $0x7E00  }
0x29a: {  	[tilespmem:s26], [sflag:$0x1] =	stream.indirect_vreg.gather [hbm4b:s9+s0], $0x80, v3, vm0, $0xb8;
	[tilespmem:$0x18600] =	vst v63  }
0x29b: {  	_ =	swait.ge [sflag:s22], $0x8000  }
0x29c: {  	[sflag:s22] =	ssyncset.done $0x0  }
0x29d: {  	s26 =	simm.s32 $0x10600;
	[sflag:s22] =	ssyncadd.s32 $0xFFFF8000  }
0x29e: {  	[hbm4b:s14+s17] =	stream.strided.scatter [tilespmem:s26], [sflag:$0x6], $0x400, s19, s17, $0x38;
	[tilespmem:$0x18600] =	vst v63  }
0x29f: {  	s2 =	simm.s32 $0x10A00;
	s26 =	sadd.s32 $0x10, s14  }
0x2a0: {  	[hbm4b:s26+s17] =	stream.strided.scatter [tilespmem:s2], [sflag:$0x6], $0x400, s19, s17, $0x38;
	[tilespmem:$0x18600] =	vst v63  }
0x2a1: {  	s2 =	simm.s32 $0x10E00;
	s26 =	sadd.s32 $0x20, s14  }
0x2a2: {  	[hbm4b:s26+s17] =	stream.strided.scatter [tilespmem:s2], [sflag:$0x6], $0x400, s19, s17, $0x38;
	[tilespmem:$0x18600] =	vst v63  }
0x2a3: {  	s2 =	simm.s32 $0x11200;
	s26 =	sadd.s32 $0x30, s14  }
0x2a4: {  	[hbm4b:s26+s17] =	stream.strided.scatter [tilespmem:s2], [sflag:$0x6], $0x400, s19, s17, $0x38;
	[tilespmem:$0x18600] =	vst v63  }
0x2a5: {  	s2 =	simm.s32 $0x11600;
	s26 =	sadd.s32 $0x40, s14  }
0x2a6: {  	[hbm4b:s26+s17] =	stream.strided.scatter [tilespmem:s2], [sflag:$0x6], $0x400, s19, s17, $0x38;
	[tilespmem:$0x18600] =	vst v63  }
0x2a7: {  	s29 =	simm.s32 $0x10000;
	s2 =	simm.s32 $0x11A00;
	s26 =	sadd.s32 $0x50, s14  }
0x2a8: {  	[hbm4b:s26+s17] =	stream.strided.scatter [tilespmem:s2], [sflag:$0x6], $0x400, s19, s17, $0x38;
	[tilespmem:$0x18600] =	vst v63  }
0x2a9: {  	s30 =	simm.s32 $0x12200;
	s2 =	simm.s32 $0x11E00;
	s26 =	sadd.s32 $0x60, s14  }
0x2aa: {  	[hbm4b:s26+s17] =	stream.strided.scatter [tilespmem:s2], [sflag:$0x6], $0x400, s19, s17, $0x38;
	[tilespmem:$0x18600] =	vst v63  }
0x2ab: {  	s31 =	sadd.s32 $0x70, s14;
	s28 =	sadd.s32 $0x400, s14;
	s26 =	simm.s32 $0x2000  }
.LBB2_12:
0x2ac: {  	[hbm4b:s31+s17] =	stream.strided.scatter [tilespmem:s30], [sflag:$0x6], $0x400, s19, s17, $0x38;
	[tilespmem:$0x18600] =	vst v63  }
0x2ad: {  	s0 =	smov.u32 s26;
	s2 =	smov.u32 s29  }
0x2ae: {  	s26 =	sshra.s32 s2, $0x2;
	s2 =	sadd.s32 $0x8000, s29;
	s30 =	sadd.s32 $0x10600, s0  }
0x2af: {  	[hbm4b:s28+s17] =	stream.strided.scatter [tilespmem:s30], [sflag:$0x6], $0x400, s19, s17, $0x38;
	[tilespmem:$0x18600] =	vst v63  }
0x2b0: {  	p0 =	sne.s32 s29, $0x18000;
	s29 =	sadd.s32 $0x10A00, s0;
	s30 =	sadd.s32 $0x10, s28  }
0x2b1: {  	[hbm4b:s30+s17] =	stream.strided.scatter [tilespmem:s29], [sflag:$0x6], $0x400, s19, s17, $0x38;
	[tilespmem:$0x18600] =	vst v63  }
0x2b2: {  	s29 =	sadd.s32 $0x10E00, s0;
	s30 =	sadd.s32 $0x20, s28  }
0x2b3: {  	[hbm4b:s30+s17] =	stream.strided.scatter [tilespmem:s29], [sflag:$0x6], $0x400, s19, s17, $0x38;
	[tilespmem:$0x18600] =	vst v63  }
0x2b4: {  	s29 =	sadd.s32 $0x11200, s0;
	s30 =	sadd.s32 $0x30, s28  }
0x2b5: {  	[hbm4b:s30+s17] =	stream.strided.scatter [tilespmem:s29], [sflag:$0x6], $0x400, s19, s17, $0x38;
	[tilespmem:$0x18600] =	vst v63  }
0x2b6: {  	s29 =	sadd.s32 $0x11600, s0;
	s30 =	sadd.s32 $0x40, s28  }
0x2b7: {  	[hbm4b:s30+s17] =	stream.strided.scatter [tilespmem:s29], [sflag:$0x6], $0x400, s19, s17, $0x38;
	[tilespmem:$0x18600] =	vst v63  }
.Ltmp5:
0x2b8: {  	s29 =	sadd.s32 $0x11A00, s0;
	s30 =	sadd.s32 $0x50, s28;
	(pc) =	sbr.rel @p0 .LBB2_12-.Ltmp5, $4  }
0x2b9: {  	[hbm4b:s30+s17] =	stream.strided.scatter [tilespmem:s29], [sflag:$0x6], $0x400, s19, s17, $0x38;
	[tilespmem:$0x18600] =	vst v63  }
0x2ba: {  	s31 =	sadd.s32 $0x70, s28;
	s29 =	sadd.s32 $0x11E00, s0;
	s30 =	sadd.s32 $0x60, s28  }
0x2bb: {  	[hbm4b:s30+s17] =	stream.strided.scatter [tilespmem:s29], [sflag:$0x6], $0x400, s19, s17, $0x38;
	[tilespmem:$0x18600] =	vst v63  }
0x2bc: {  	s28 =	sadd.s32 $0x400, s28;
	s30 =	sadd.s32 $0x12200, s0;
	s29 =	smov.u32 s2  }
0x2bd: {  	[hbm4b:s31+s17] =	stream.strided.scatter [tilespmem:s30], [sflag:$0x6], $0x400, s19, s17, $0x38;
	[tilespmem:$0x18600] =	vst v63  }
0x2be: {  	s0 =	sadd.s32 $0x10600, s26  }
0x2bf: {  	[hbm4b:s28+s17] =	stream.strided.scatter [tilespmem:s0], [sflag:$0x6], $0x400, s19, s17, $0x38;
	[tilespmem:$0x18600] =	vst v63  }
0x2c0: {  	s2 =	sadd.s32 $0x10, s28;
	s0 =	sadd.s32 $0x10A00, s26  }
0x2c1: {  	[hbm4b:s2+s17] =	stream.strided.scatter [tilespmem:s0], [sflag:$0x6], $0x400, s19, s17, $0x38;
	[tilespmem:$0x18600] =	vst v63  }
0x2c2: {  	s0 =	sadd.s32 $0x10E00, s26;
	s2 =	sadd.s32 $0x20, s28  }
0x2c3: {  	[hbm4b:s2+s17] =	stream.strided.scatter [tilespmem:s0], [sflag:$0x6], $0x400, s19, s17, $0x38;
	[tilespmem:$0x18600] =	vst v63  }
0x2c4: {  	s0 =	sadd.s32 $0x11200, s26;
	s2 =	sadd.s32 $0x30, s28  }
0x2c5: {  	[hbm4b:s2+s17] =	stream.strided.scatter [tilespmem:s0], [sflag:$0x6], $0x400, s19, s17, $0x38;
	[tilespmem:$0x18600] =	vst v63  }
0x2c6: {  	s0 =	sadd.s32 $0x11600, s26;
	s2 =	sadd.s32 $0x40, s28  }
0x2c7: {  	[hbm4b:s2+s17] =	stream.strided.scatter [tilespmem:s0], [sflag:$0x6], $0x400, s19, s17, $0x38;
	[tilespmem:$0x18600] =	vst v63  }
0x2c8: {  	s0 =	sadd.s32 $0x11A00, s26;
	s2 =	sadd.s32 $0x50, s28  }
0x2c9: {  	[hbm4b:s2+s17] =	stream.strided.scatter [tilespmem:s0], [sflag:$0x6], $0x400, s19, s17, $0x38;
	[tilespmem:$0x18600] =	vst v63  }
0x2ca: {  	s0 =	sadd.s32 $0x11E00, s26;
	s2 =	sadd.s32 $0x60, s28  }
0x2cb: {  	[hbm4b:s2+s17] =	stream.strided.scatter [tilespmem:s0], [sflag:$0x6], $0x400, s19, s17, $0x38;
	[tilespmem:$0x18600] =	vst v63  }
0x2cc: {  	s2 =	sadd.s32 $0x12200, s26;
	s26 =	sadd.s32 $0x70, s28  }
0x2cd: {  	[hbm4b:s26+s17] =	stream.strided.scatter [tilespmem:s2], [sflag:$0x6], $0x400, s19, s17, $0x38;
	[tilespmem:$0x18600] =	vst v63  }
0x2ce: {  	_ =	swait.ge [sflag:s23], $0x8000  }
0x2cf: {  	[sflag:s23] =	ssyncset.done $0x0  }
0x2d0: {  	[sflag:s23] =	ssyncadd.s32 $0xFFFF8000  }
0x2d1: {  	v3 =	vld [tilespmem:$0x580];
	_ =	sdelay $0x4  }
0x2d2: {  	v4 =	vshll.u32 v3, $0x3  }
0x2d3: {  	v3 =	vand.u32 $0x7, v3;
	v4 =	vand.u32 $0xFFFFFFC0, v4  }
0x2d4: {  	v3 =	vor.u32 v3, v4  }
0x2d5: {  	v4 =	vperm.xlane v3, v0;
	_ =	sdelay $0x1  }
0x2d6: {  	v4 =	vadd.s32 v1, v4;
	_ =	sdelay $0x3  }
0x2d7: {  	s0 =	simm.s32 $0x0;
	s26 =	simm.s32 $0x8600  }
0x2d8: {  	[tilespmem:s26], [sflag:$0x2] =	stream.indirect_vreg.gather [hbm4b:s1+s0], $0x80, v4, vm0, $0xb8;
	[tilespmem:$0x18600] =	vst v63  }
0x2d9: {  	v3 =	vperm.xlane v3, v2;
	s26 =	simm.s32 $0x8E00  }
0x2da: {  	[tilespmem:s26], [sflag:$0x2] =	stream.indirect_vreg.gather [hbm4b:s6+s0], $0x80, v4, vm0, $0xb8;
	[tilespmem:$0x18600] =	vst v63  }
0x2db: {  	v3 =	vadd.s32 v1, v3;
	s26 =	simm.s32 $0x9600  }
0x2dc: {  	[tilespmem:s26], [sflag:$0x2] =	stream.indirect_vreg.gather [hbm4b:s7+s0], $0x80, v4, vm0, $0xb8;
	[tilespmem:$0x18600] =	vst v63  }
0x2dd: {  	s26 =	simm.s32 $0x9E00  }
0x2de: {  	[tilespmem:s26], [sflag:$0x2] =	stream.indirect_vreg.gather [hbm4b:s9+s0], $0x80, v4, vm0, $0xb8;
	[tilespmem:$0x18600] =	vst v63  }
0x2df: {  	s26 =	simm.s32 $0xA600  }
0x2e0: {  	[tilespmem:s26], [sflag:$0x2] =	stream.indirect_vreg.gather [hbm4b:s1+s0], $0x80, v3, vm0, $0xb8;
	[tilespmem:$0x18600] =	vst v63  }
0x2e1: {  	s26 =	simm.s32 $0xAE00  }
0x2e2: {  	[tilespmem:s26], [sflag:$0x2] =	stream.indirect_vreg.gather [hbm4b:s6+s0], $0x80, v3, vm0, $0xb8;
	[tilespmem:$0x18600] =	vst v63  }
0x2e3: {  	s26 =	simm.s32 $0xB600  }
0x2e4: {  	[tilespmem:s26], [sflag:$0x2] =	stream.indirect_vreg.gather [hbm4b:s7+s0], $0x80, v3, vm0, $0xb8;
	[tilespmem:$0x18600] =	vst v63  }
0x2e5: {  	s26 =	simm.s32 $0xBE00  }
0x2e6: {  	[tilespmem:s26], [sflag:$0x2] =	stream.indirect_vreg.gather [hbm4b:s9+s0], $0x80, v3, vm0, $0xb8;
	[tilespmem:$0x18600] =	vst v63  }
0x2e7: {  	v3 =	vld [tilespmem:$0x590];
	_ =	sdelay $0x4  }
0x2e8: {  	v63 =	vshll.u32 v3, $0x3  }
0x2e9: {  	v3 =	vand.u32 $0x7, v3;
	v4 =	vand.u32 $0xFFFFFFC0, v63  }
0x2ea: {  	v3 =	vor.u32 v3, v4  }
0x2eb: {  	v4 =	vperm.xlane v3, v0;
	_ =	sdelay $0x1  }
0x2ec: {  	v4 =	vadd.s32 v1, v4;
	_ =	sdelay $0x3  }
0x2ed: {  	s26 =	simm.s32 $0xC600  }
0x2ee: {  	[tilespmem:s26], [sflag:$0x2] =	stream.indirect_vreg.gather [hbm4b:s1+s0], $0x80, v4, vm0, $0xb8;
	[tilespmem:$0x18600] =	vst v63  }
0x2ef: {  	v3 =	vperm.xlane v3, v2;
	s26 =	simm.s32 $0xCE00  }
0x2f0: {  	[tilespmem:s26], [sflag:$0x2] =	stream.indirect_vreg.gather [hbm4b:s6+s0], $0x80, v4, vm0, $0xb8;
	[tilespmem:$0x18600] =	vst v63  }
0x2f1: {  	v3 =	vadd.s32 v1, v3;
	s26 =	simm.s32 $0xD600  }
0x2f2: {  	[tilespmem:s26], [sflag:$0x2] =	stream.indirect_vreg.gather [hbm4b:s7+s0], $0x80, v4, vm0, $0xb8;
	[tilespmem:$0x18600] =	vst v63  }
0x2f3: {  	s26 =	simm.s32 $0xDE00  }
0x2f4: {  	[tilespmem:s26], [sflag:$0x2] =	stream.indirect_vreg.gather [hbm4b:s9+s0], $0x80, v4, vm0, $0xb8;
	[tilespmem:$0x18600] =	vst v63  }
0x2f5: {  	s26 =	simm.s32 $0xE600  }
0x2f6: {  	[tilespmem:s26], [sflag:$0x2] =	stream.indirect_vreg.gather [hbm4b:s1+s0], $0x80, v3, vm0, $0xb8;
	[tilespmem:$0x18600] =	vst v63  }
0x2f7: {  	s26 =	simm.s32 $0xEE00  }
0x2f8: {  	[tilespmem:s26], [sflag:$0x2] =	stream.indirect_vreg.gather [hbm4b:s6+s0], $0x80, v3, vm0, $0xb8;
	[tilespmem:$0x18600] =	vst v63  }
0x2f9: {  	_ = 	snop  }
0x2fa: {  	[tilespmem:s18], [sflag:$0x2] =	stream.indirect_vreg.gather [hbm4b:s7+s0], $0x80, v3, vm0, $0xb8;
	[tilespmem:$0x18600] =	vst v63  }
0x2fb: {  	_ = 	snop  }
0x2fc: {  	[tilespmem:s4], [sflag:$0x2] =	stream.indirect_vreg.gather [hbm4b:s9+s0], $0x80, v3, vm0, $0xb8;
	[tilespmem:$0x18600] =	vst v63  }
0x2fd: {  	_ =	swait.ge [sflag:s5], $0x8000  }
0x2fe: {  	[sflag:s5] =	ssyncset.done $0x0  }
0x2ff: {  	s26 =	simm.s32 $0x600;
	[sflag:s5] =	ssyncadd.s32 $0xFFFF8000  }
0x300: {  	[hbm4b:s15+s17] =	stream.strided.scatter [tilespmem:s26], [sflag:$0x4], $0x400, s19, s17, $0x38;
	[tilespmem:$0x18600] =	vst v63  }
0x301: {  	s2 =	simm.s32 $0xA00;
	s26 =	sadd.s32 $0x10, s15  }
0x302: {  	[hbm4b:s26+s17] =	stream.strided.scatter [tilespmem:s2], [sflag:$0x4], $0x400, s19, s17, $0x38;
	[tilespmem:$0x18600] =	vst v63  }
0x303: {  	s2 =	simm.s32 $0xE00;
	s26 =	sadd.s32 $0x20, s15  }
0x304: {  	[hbm4b:s26+s17] =	stream.strided.scatter [tilespmem:s2], [sflag:$0x4], $0x400, s19, s17, $0x38;
	[tilespmem:$0x18600] =	vst v63  }
0x305: {  	s2 =	simm.s32 $0x1200;
	s26 =	sadd.s32 $0x30, s15  }
0x306: {  	[hbm4b:s26+s17] =	stream.strided.scatter [tilespmem:s2], [sflag:$0x4], $0x400, s19, s17, $0x38;
	[tilespmem:$0x18600] =	vst v63  }
0x307: {  	s2 =	simm.s32 $0x1600;
	s26 =	sadd.s32 $0x40, s15  }
0x308: {  	[hbm4b:s26+s17] =	stream.strided.scatter [tilespmem:s2], [sflag:$0x4], $0x400, s19, s17, $0x38;
	[tilespmem:$0x18600] =	vst v63  }
0x309: {  	s29 =	simm.s32 $0x10000;
	s2 =	simm.s32 $0x1A00;
	s26 =	sadd.s32 $0x50, s15  }
0x30a: {  	[hbm4b:s26+s17] =	stream.strided.scatter [tilespmem:s2], [sflag:$0x4], $0x400, s19, s17, $0x38;
	[tilespmem:$0x18600] =	vst v63  }
0x30b: {  	s30 =	simm.s32 $0x2200;
	s2 =	simm.s32 $0x1E00;
	s26 =	sadd.s32 $0x60, s15  }
0x30c: {  	[hbm4b:s26+s17] =	stream.strided.scatter [tilespmem:s2], [sflag:$0x4], $0x400, s19, s17, $0x38;
	[tilespmem:$0x18600] =	vst v63  }
0x30d: {  	s31 =	sadd.s32 $0x70, s15;
	s28 =	sadd.s32 $0x400, s15;
	s26 =	simm.s32 $0x2000  }
.LBB2_14:
0x30e: {  	[hbm4b:s31+s17] =	stream.strided.scatter [tilespmem:s30], [sflag:$0x4], $0x400, s19, s17, $0x38;
	[tilespmem:$0x18600] =	vst v63  }
0x30f: {  	s0 =	smov.u32 s26;
	s2 =	smov.u32 s29  }
0x310: {  	s26 =	sshra.s32 s2, $0x2;
	s2 =	sadd.s32 $0x8000, s29;
	s30 =	sadd.s32 $0x600, s0  }
0x311: {  	[hbm4b:s28+s17] =	stream.strided.scatter [tilespmem:s30], [sflag:$0x4], $0x400, s19, s17, $0x38;
	[tilespmem:$0x18600] =	vst v63  }
0x312: {  	p0 =	sne.s32 s29, $0x18000;
	s29 =	sadd.s32 $0xA00, s0;
	s30 =	sadd.s32 $0x10, s28  }
0x313: {  	[hbm4b:s30+s17] =	stream.strided.scatter [tilespmem:s29], [sflag:$0x4], $0x400, s19, s17, $0x38;
	[tilespmem:$0x18600] =	vst v63  }
0x314: {  	s29 =	sadd.s32 $0xE00, s0;
	s30 =	sadd.s32 $0x20, s28  }
0x315: {  	[hbm4b:s30+s17] =	stream.strided.scatter [tilespmem:s29], [sflag:$0x4], $0x400, s19, s17, $0x38;
	[tilespmem:$0x18600] =	vst v63  }
0x316: {  	s29 =	sadd.s32 $0x1200, s0;
	s30 =	sadd.s32 $0x30, s28  }
0x317: {  	[hbm4b:s30+s17] =	stream.strided.scatter [tilespmem:s29], [sflag:$0x4], $0x400, s19, s17, $0x38;
	[tilespmem:$0x18600] =	vst v63  }
0x318: {  	s29 =	sadd.s32 $0x1600, s0;
	s30 =	sadd.s32 $0x40, s28  }
0x319: {  	[hbm4b:s30+s17] =	stream.strided.scatter [tilespmem:s29], [sflag:$0x4], $0x400, s19, s17, $0x38;
	[tilespmem:$0x18600] =	vst v63  }
.Ltmp6:
0x31a: {  	s29 =	sadd.s32 $0x1A00, s0;
	s30 =	sadd.s32 $0x50, s28;
	(pc) =	sbr.rel @p0 .LBB2_14-.Ltmp6, $4  }
0x31b: {  	[hbm4b:s30+s17] =	stream.strided.scatter [tilespmem:s29], [sflag:$0x4], $0x400, s19, s17, $0x38;
	[tilespmem:$0x18600] =	vst v63  }
0x31c: {  	s31 =	sadd.s32 $0x70, s28;
	s29 =	sadd.s32 $0x1E00, s0;
	s30 =	sadd.s32 $0x60, s28  }
0x31d: {  	[hbm4b:s30+s17] =	stream.strided.scatter [tilespmem:s29], [sflag:$0x4], $0x400, s19, s17, $0x38;
	[tilespmem:$0x18600] =	vst v63  }
0x31e: {  	s28 =	sadd.s32 $0x400, s28;
	s30 =	sadd.s32 $0x2200, s0;
	s29 =	smov.u32 s2  }
0x31f: {  	[hbm4b:s31+s17] =	stream.strided.scatter [tilespmem:s30], [sflag:$0x4], $0x400, s19, s17, $0x38;
	[tilespmem:$0x18600] =	vst v63  }
0x320: {  	s0 =	sadd.s32 $0x600, s26  }
0x321: {  	[hbm4b:s28+s17] =	stream.strided.scatter [tilespmem:s0], [sflag:$0x4], $0x400, s19, s17, $0x38;
	[tilespmem:$0x18600] =	vst v63  }
0x322: {  	s2 =	sadd.s32 $0x10, s28;
	s0 =	sadd.s32 $0xA00, s26  }
0x323: {  	[hbm4b:s2+s17] =	stream.strided.scatter [tilespmem:s0], [sflag:$0x4], $0x400, s19, s17, $0x38;
	[tilespmem:$0x18600] =	vst v63  }
0x324: {  	s0 =	sadd.s32 $0xE00, s26;
	s2 =	sadd.s32 $0x20, s28  }
0x325: {  	[hbm4b:s2+s17] =	stream.strided.scatter [tilespmem:s0], [sflag:$0x4], $0x400, s19, s17, $0x38;
	[tilespmem:$0x18600] =	vst v63  }
0x326: {  	s0 =	sadd.s32 $0x1200, s26;
	s2 =	sadd.s32 $0x30, s28  }
0x327: {  	[hbm4b:s2+s17] =	stream.strided.scatter [tilespmem:s0], [sflag:$0x4], $0x400, s19, s17, $0x38;
	[tilespmem:$0x18600] =	vst v63  }
0x328: {  	s0 =	sadd.s32 $0x1600, s26;
	s2 =	sadd.s32 $0x40, s28  }
0x329: {  	[hbm4b:s2+s17] =	stream.strided.scatter [tilespmem:s0], [sflag:$0x4], $0x400, s19, s17, $0x38;
	[tilespmem:$0x18600] =	vst v63  }
0x32a: {  	s0 =	sadd.s32 $0x1A00, s26;
	s2 =	sadd.s32 $0x50, s28  }
0x32b: {  	[hbm4b:s2+s17] =	stream.strided.scatter [tilespmem:s0], [sflag:$0x4], $0x400, s19, s17, $0x38;
	[tilespmem:$0x18600] =	vst v63  }
0x32c: {  	s0 =	sadd.s32 $0x1E00, s26;
	s2 =	sadd.s32 $0x60, s28  }
0x32d: {  	[hbm4b:s2+s17] =	stream.strided.scatter [tilespmem:s0], [sflag:$0x4], $0x400, s19, s17, $0x38;
	[tilespmem:$0x18600] =	vst v63  }
0x32e: {  	s2 =	sadd.s32 $0x2200, s26;
	s26 =	sadd.s32 $0x70, s28  }
0x32f: {  	[hbm4b:s26+s17] =	stream.strided.scatter [tilespmem:s2], [sflag:$0x4], $0x400, s19, s17, $0x38;
	[tilespmem:$0x18600] =	vst v63  }
0x330: {  	_ =	swait.ge [sflag:s20], $0x8000  }
0x331: {  	[sflag:s20] =	ssyncset.done $0x0  }
0x332: {  	s26 =	simm.s32 $0x8600;
	[sflag:s20] =	ssyncadd.s32 $0xFFFF8000  }
0x333: {  	[hbm4b:s16+s17] =	stream.strided.scatter [tilespmem:s26], [sflag:$0x5], $0x400, s19, s17, $0x38;
	[tilespmem:$0x18600] =	vst v63  }
0x334: {  	s2 =	simm.s32 $0x8A00;
	s26 =	sadd.s32 $0x10, s16  }
0x335: {  	[hbm4b:s26+s17] =	stream.strided.scatter [tilespmem:s2], [sflag:$0x5], $0x400, s19, s17, $0x38;
	[tilespmem:$0x18600] =	vst v63  }
0x336: {  	s2 =	simm.s32 $0x8E00;
	s26 =	sadd.s32 $0x20, s16  }
0x337: {  	[hbm4b:s26+s17] =	stream.strided.scatter [tilespmem:s2], [sflag:$0x5], $0x400, s19, s17, $0x38;
	[tilespmem:$0x18600] =	vst v63  }
0x338: {  	s2 =	simm.s32 $0x9200;
	s26 =	sadd.s32 $0x30, s16  }
0x339: {  	[hbm4b:s26+s17] =	stream.strided.scatter [tilespmem:s2], [sflag:$0x5], $0x400, s19, s17, $0x38;
	[tilespmem:$0x18600] =	vst v63  }
0x33a: {  	s2 =	simm.s32 $0x9600;
	s26 =	sadd.s32 $0x40, s16  }
0x33b: {  	[hbm4b:s26+s17] =	stream.strided.scatter [tilespmem:s2], [sflag:$0x5], $0x400, s19, s17, $0x38;
	[tilespmem:$0x18600] =	vst v63  }
0x33c: {  	s29 =	simm.s32 $0x10000;
	s2 =	simm.s32 $0x9A00;
	s26 =	sadd.s32 $0x50, s16  }
0x33d: {  	[hbm4b:s26+s17] =	stream.strided.scatter [tilespmem:s2], [sflag:$0x5], $0x400, s19, s17, $0x38;
	[tilespmem:$0x18600] =	vst v63  }
0x33e: {  	s30 =	simm.s32 $0xA200;
	s2 =	simm.s32 $0x9E00;
	s26 =	sadd.s32 $0x60, s16  }
0x33f: {  	[hbm4b:s26+s17] =	stream.strided.scatter [tilespmem:s2], [sflag:$0x5], $0x400, s19, s17, $0x38;
	[tilespmem:$0x18600] =	vst v63  }
0x340: {  	s31 =	sadd.s32 $0x70, s16;
	s28 =	sadd.s32 $0x400, s16;
	s26 =	simm.s32 $0x2000  }
.LBB2_16:
0x341: {  	[hbm4b:s31+s17] =	stream.strided.scatter [tilespmem:s30], [sflag:$0x5], $0x400, s19, s17, $0x38;
	[tilespmem:$0x18600] =	vst v63  }
0x342: {  	s0 =	smov.u32 s26;
	s2 =	smov.u32 s29  }
0x343: {  	s26 =	sshra.s32 s2, $0x2;
	s2 =	sadd.s32 $0x8000, s29;
	s30 =	sadd.s32 $0x8600, s0  }
0x344: {  	[hbm4b:s28+s17] =	stream.strided.scatter [tilespmem:s30], [sflag:$0x5], $0x400, s19, s17, $0x38;
	[tilespmem:$0x18600] =	vst v63  }
0x345: {  	p0 =	sne.s32 s29, $0x18000;
	s29 =	sadd.s32 $0x8A00, s0;
	s30 =	sadd.s32 $0x10, s28  }
0x346: {  	[hbm4b:s30+s17] =	stream.strided.scatter [tilespmem:s29], [sflag:$0x5], $0x400, s19, s17, $0x38;
	[tilespmem:$0x18600] =	vst v63  }
0x347: {  	s29 =	sadd.s32 $0x8E00, s0;
	s30 =	sadd.s32 $0x20, s28  }
0x348: {  	[hbm4b:s30+s17] =	stream.strided.scatter [tilespmem:s29], [sflag:$0x5], $0x400, s19, s17, $0x38;
	[tilespmem:$0x18600] =	vst v63  }
0x349: {  	s29 =	sadd.s32 $0x9200, s0;
	s30 =	sadd.s32 $0x30, s28  }
0x34a: {  	[hbm4b:s30+s17] =	stream.strided.scatter [tilespmem:s29], [sflag:$0x5], $0x400, s19, s17, $0x38;
	[tilespmem:$0x18600] =	vst v63  }
0x34b: {  	s29 =	sadd.s32 $0x9600, s0;
	s30 =	sadd.s32 $0x40, s28  }
0x34c: {  	[hbm4b:s30+s17] =	stream.strided.scatter [tilespmem:s29], [sflag:$0x5], $0x400, s19, s17, $0x38;
	[tilespmem:$0x18600] =	vst v63  }
.Ltmp7:
0x34d: {  	s29 =	sadd.s32 $0x9A00, s0;
	s30 =	sadd.s32 $0x50, s28;
	(pc) =	sbr.rel @p0 .LBB2_16-.Ltmp7, $4  }
0x34e: {  	[hbm4b:s30+s17] =	stream.strided.scatter [tilespmem:s29], [sflag:$0x5], $0x400, s19, s17, $0x38;
	[tilespmem:$0x18600] =	vst v63  }
0x34f: {  	s31 =	sadd.s32 $0x70, s28;
	s29 =	sadd.s32 $0x9E00, s0;
	s30 =	sadd.s32 $0x60, s28  }
0x350: {  	[hbm4b:s30+s17] =	stream.strided.scatter [tilespmem:s29], [sflag:$0x5], $0x400, s19, s17, $0x38;
	[tilespmem:$0x18600] =	vst v63  }
0x351: {  	s28 =	sadd.s32 $0x400, s28;
	s30 =	sadd.s32 $0xA200, s0;
	s29 =	smov.u32 s2  }
0x352: {  	[hbm4b:s31+s17] =	stream.strided.scatter [tilespmem:s30], [sflag:$0x5], $0x400, s19, s17, $0x38;
	[tilespmem:$0x18600] =	vst v63  }
0x353: {  	s0 =	sadd.s32 $0x8600, s26  }
0x354: {  	[hbm4b:s28+s17] =	stream.strided.scatter [tilespmem:s0], [sflag:$0x5], $0x400, s19, s17, $0x38;
	[tilespmem:$0x18600] =	vst v63  }
0x355: {  	s29 =	sadd.s32 $0x8A00, s26;
	s2 =	sadd.s32 $0x10, s28  }
0x356: {  	[hbm4b:s2+s17] =	stream.strided.scatter [tilespmem:s29], [sflag:$0x5], $0x400, s19, s17, $0x38;
	[tilespmem:$0x18600] =	vst v63  }
0x357: {  	s30 =	sadd.s32 $0x8E00, s26;
	s31 =	sadd.s32 $0x20, s28  }
0x358: {  	[hbm4b:s31+s17] =	stream.strided.scatter [tilespmem:s30], [sflag:$0x5], $0x400, s19, s17, $0x38;
	[tilespmem:$0x18600] =	vst v63  }
0x359: {  	s2 =	sadd.s32 $0x9200, s26;
	s29 =	sadd.s32 $0x30, s28  }
0x35a: {  	[hbm4b:s29+s17] =	stream.strided.scatter [tilespmem:s2], [sflag:$0x5], $0x400, s19, s17, $0x38;
	[tilespmem:$0x18600] =	vst v63  }
0x35b: {  	s30 =	sadd.s32 $0x9600, s26;
	s31 =	sadd.s32 $0x40, s28  }
0x35c: {  	[hbm4b:s31+s17] =	stream.strided.scatter [tilespmem:s30], [sflag:$0x5], $0x400, s19, s17, $0x38;
	[tilespmem:$0x18600] =	vst v63  }
0x35d: {  	s2 =	sadd.s32 $0x9A00, s26;
	s29 =	sadd.s32 $0x50, s28  }
0x35e: {  	[hbm4b:s29+s17] =	stream.strided.scatter [tilespmem:s2], [sflag:$0x5], $0x400, s19, s17, $0x38;
	[tilespmem:$0x18600] =	vst v63  }
0x35f: {  	s30 =	sadd.s32 $0x9E00, s26;
	s31 =	sadd.s32 $0x60, s28  }
0x360: {  	[hbm4b:s31+s17] =	stream.strided.scatter [tilespmem:s30], [sflag:$0x5], $0x400, s19, s17, $0x38;
	[tilespmem:$0x18600] =	vst v63  }
0x361: {  	s29 =	sadd.s32 $0xA200, s26;
	s30 =	sadd.s32 $0x70, s28  }
0x362: {  	[hbm4b:s30+s17] =	stream.strided.scatter [tilespmem:s29], [sflag:$0x5], $0x400, s19, s17, $0x38;
	[tilespmem:$0x18600] =	vst v63  }
0x363: {  	_ =	swait.ge [sflag:s21], $0x8000  }
0x364: {  	[sflag:s21] =	ssyncset.done $0x0  }
0x365: {  	[sflag:s21] =	ssyncadd.s32 $0xFFFF8000  }
0x366: {  	_ =	swait.ge [sflag:s23], $0x8000  }
0x367: {  	[sflag:s23] =	ssyncset.done $0x0  }
0x368: {  	[sflag:s23] =	ssyncadd.s32 $0xFFFF8000  }
0x369: {  	_ =	swait.ge [sflag:s24], $0x8000  }
0x36a: {  	s25 =	sadd.s32 $0x1, s25;
	s31 =	rddreg [dreg:$0x7]  }
0x36b: {  	p0 =	sne.s32 s25, s31  }
.Ltmp8:
0x36c: {  	_ = 	snop;
	(pc) =	sbr.rel @p0 .LBB2_1-.Ltmp8, $3  }
0x36d: {  	_ =	sdelay $0x1  }
0x36e: {  	[sflag:s24] =	ssyncset.done $0x0  }
0x36f: {  	[sflag:s24] =	ssyncadd.s32 $0xFFFF8000  }
0x370: {  	_ =	sfence.sel $0x180000  }
0x371: {  	[bflag:$0x0] =	sbarrier.arrive $0xFFFF  }
0x372: {  	_ =	strace $0x90000047  }
0x373: {  	s0 =	stileid.u32;
	[bflag:$0x2] =	sbarrier.arrive $0xFFFF  }
0x374: {  	p0 =	sne.s32 s0, $0x0;
	s0 =	rddreg [dreg:$0x4]  }
0x375: {  	s0 =	sadd.s32 @!p0 $0x100000, s0  }
0x376: {  	[sflag:s0] =	ssyncadd.tile.s32 @!p0 $0x1;
	_ =	shalt  }
.Lfunc_end2:
_tile_overlayer_lowered:
.L_overlay_start_2:
0x377: {  	(tag) =	ssettag $0x2  }
0x378: {  	s0 =	rddreg [dreg:$0x0];
	s2 =	stileid.u32  }
0x379: {  	s1 =	rddreg [dreg:$0x1];
	p0 =	sne.s32 s2, $0x0  }
0x37a: {  	s3 =	rddreg [dreg:$0x2];
	[bflag:$0x3] =	sbarrier.arrive $0xFFFF;
	s2 =	simm.s32 @!p0 $0x1C09  }
0x37b: {  	[timem:s3], [sflag:s2] =	dma.local @!p0 [hbm:s0], s1  }
0x37c: {  	s0 =	simm.s32 @!p0 $0x9  }
0x37d: {  	_ =	swait.ge @!p0 [sflag:s0], s1  }
0x37e: {  	s1 =	ssub.s32 @!p0 $0x0, s1;
	[sflag:s0] =	ssyncset.done @!p0 $0x0  }
0x37f: {  	[sflag:s0] =	ssyncadd.s32 @!p0 s1  }
0x380: {  	[bflag:$0x3] =	sbarrier.arrive $0xFFFF  }
0x381: {  	_ =	shalt  }

</sc_bundles>
